<compile_context>
chip_gen: v7x
topology: tpu7x:2x2x1
jax: 0.10.2.dev20260603
libtpu: 0.0.44.dev20260713+nightly
codegen_flags: <defaults>
</compile_context>

<pallas_src>
import functools

import jax
import jax.numpy as jnp
from jax import lax
from jax.experimental import pallas as pl
from jax.experimental.pallas import tpu as pltpu
from jax.experimental.pallas import tpu_sc as plsc

N = 10000
D = 128
NC = 2
NS = 16
NW = NC * NS
CHUNK = 88
CHUNK_D = 80
ROWS_PAD = 10240
RPT = ROWS_PAD // NS
ROWS_AGG = 10112
RPT_AGG = ROWS_AGG // NS


def _sc_mesh():
    return plsc.VectorSubcoreMesh(core_axis_name="c", subcore_axis_name="s")


_DEG_WIN = 4


def _make_deg_kernel(e_pad):
    ept = e_pad // NW
    n_chunks = ept // CHUNK_D

    @functools.partial(
        pl.kernel,
        out_type=jax.ShapeDtypeStruct((NC, ROWS_PAD), jnp.float32),
        mesh=_sc_mesh(),
        scratch_types=[
            pltpu.VMEM((n_chunks, CHUNK_D), jnp.int32),
            pltpu.VMEM((CHUNK_D,), jnp.float32),
            pltpu.VMEM_SHARED((ROWS_PAD,), jnp.float32),
            pltpu.SemaphoreType.DMA,
        ],
    )
    def deg_kernel(dst_hbm, zeros_hbm, out_hbm, didx_all, ones_v, acc_sh, sem):
        c = lax.axis_index("c")
        s = lax.axis_index("s")
        wid = s * NC + c
        pltpu.sync_copy(zeros_hbm.at[pl.ds(s * RPT, RPT)],
                        acc_sh.at[pl.ds(s * RPT, RPT)])
        for i in range(CHUNK_D // 16):
            ones_v[pl.ds(i * 16, 16)] = jnp.ones((16,), jnp.float32)
        pltpu.sync_copy(dst_hbm.at[wid], didx_all)
        plsc.subcore_barrier()

        def body(j, carry):
            pltpu.async_copy(ones_v, acc_sh.at[didx_all.at[j]], sem, add=True)

            @pl.when(j >= _DEG_WIN)
            def _():
                pltpu.make_async_copy(
                    ones_v, acc_sh.at[didx_all.at[0]], sem).wait()

            return carry

        lax.fori_loop(0, n_chunks, body, 0)
        for _ in range(min(_DEG_WIN, n_chunks)):
            pltpu.make_async_copy(ones_v, acc_sh.at[didx_all.at[0]], sem).wait()
        plsc.subcore_barrier()
        pltpu.sync_copy(acc_sh.at[pl.ds(s * RPT, RPT)],
                        out_hbm.at[c, pl.ds(s * RPT, RPT)])

    return deg_kernel


def _make_agg_kernel(e_pad):
    ept = e_pad // NW
    n_chunks = ept // CHUNK

    @functools.partial(
        pl.kernel,
        out_type=jax.ShapeDtypeStruct((NC, ROWS_AGG, D), jnp.float32),
        mesh=_sc_mesh(),
        scratch_types=[
            pltpu.VMEM((n_chunks, CHUNK), jnp.int32),
            pltpu.VMEM((CHUNK,), jnp.int32),
            pltpu.VMEM((CHUNK,), jnp.int32),
            pltpu.VMEM((CHUNK,), jnp.int32),
            pltpu.VMEM((CHUNK, D), jnp.float32),
            pltpu.VMEM((CHUNK, D), jnp.float32),
            pltpu.VMEM((CHUNK, D), jnp.float32),
            pltpu.VMEM_SHARED((ROWS_AGG, D), jnp.float32),
            pltpu.SemaphoreType.DMA,
            pltpu.SemaphoreType.DMA,
            pltpu.SemaphoreType.DMA,
            pltpu.SemaphoreType.DMA,
            pltpu.SemaphoreType.DMA,
            pltpu.SemaphoreType.DMA,
        ],
    )
    def agg_kernel(hs_hbm, src_hbm, dst_hbm, zeros_hbm, out_hbm,
                   didx_all, sidx0, sidx1, sidx2, rows0, rows1, rows2, acc_sh,
                   gsem0, gsem1, gsem2, isem0, isem1, isem2):
        c = lax.axis_index("c")
        s = lax.axis_index("s")
        wid = s * NC + c
        base = wid * ept
        pltpu.sync_copy(zeros_hbm.at[pl.ds(s * RPT_AGG, RPT_AGG)],
                        acc_sh.at[pl.ds(s * RPT_AGG, RPT_AGG)])
        pltpu.sync_copy(dst_hbm.at[wid], didx_all)
        plsc.subcore_barrier()

        sidx = (sidx0, sidx1, sidx2)
        rows = (rows0, rows1, rows2)
        gsem = (gsem0, gsem1, gsem2)
        isem = (isem0, isem1, isem2)
        for k in range(3):
            pltpu.async_copy(src_hbm.at[pl.ds(base + k * CHUNK, CHUNK)],
                             sidx[k], isem[k])
        for k in range(3):
            pltpu.make_async_copy(src_hbm.at[pl.ds(base, CHUNK)],
                                  sidx[k], isem[k]).wait()
            pltpu.async_copy(hs_hbm.at[sidx[k]], rows[k], gsem[k])

        def chunk_step(j, k):
            pltpu.make_async_copy(hs_hbm.at[sidx[k]], rows[k],
                                  gsem[k]).wait()

            @pl.when(j + 3 < n_chunks)
            def _():
                pltpu.async_copy(
                    src_hbm.at[pl.ds(base + (j + 3) * CHUNK, CHUNK)],
                    sidx[k], isem[k])

            pltpu.sync_copy(rows[k], acc_sh.at[didx_all.at[j]], add=True)

            @pl.when(j + 3 < n_chunks)
            def _():
                pltpu.make_async_copy(src_hbm.at[pl.ds(base, CHUNK)],
                                      sidx[k], isem[k]).wait()
                pltpu.async_copy(hs_hbm.at[sidx[k]], rows[k], gsem[k])

        def triple(t, carry):
            j0 = 3 * t
            chunk_step(j0, 0)
            chunk_step(j0 + 1, 1)
            chunk_step(j0 + 2, 2)
            return carry

        lax.fori_loop(0, n_chunks // 3, triple, 0)
        plsc.subcore_barrier()
        pltpu.sync_copy(acc_sh.at[pl.ds(s * RPT_AGG, RPT_AGG)],
                        out_hbm.at[c, pl.ds(s * RPT_AGG, RPT_AGG)])

    return agg_kernel


_BLK = 2000


def _k1_body(x_ref, w_ref, dega_ref, degb_ref, hs_ref, dis_ref):
    deg = dega_ref[...] + degb_ref[...] + 1.0
    dis = lax.rsqrt(deg)
    h = jnp.dot(x_ref[...], w_ref[...], preferred_element_type=jnp.float32)
    hs_ref[...] = h * dis
    dis_ref[...] = dis


def _tc_k1(x, w1, dega, degb):
    grid = (N // _BLK,)
    return pl.pallas_call(
        _k1_body,
        grid=grid,
        in_specs=[
            pl.BlockSpec((_BLK, D), lambda i: (i, 0)),
            pl.BlockSpec((D, D), lambda i: (0, 0)),
            pl.BlockSpec((_BLK, 1), lambda i: (i, 0)),
            pl.BlockSpec((_BLK, 1), lambda i: (i, 0)),
        ],
        out_specs=[
            pl.BlockSpec((_BLK, D), lambda i: (i, 0)),
            pl.BlockSpec((_BLK, 1), lambda i: (i, 0)),
        ],
        out_shape=[
            jax.ShapeDtypeStruct((N, D), jnp.float32),
            jax.ShapeDtypeStruct((N, 1), jnp.float32),
        ],
    )(x, w1, dega, degb)


def _k2_body(a0_ref, a1_ref, hs_ref, dis_ref, b_ref, w_ref, out_ref):
    dis = dis_ref[...]
    t = dis * (a0_ref[...] + a1_ref[...] + hs_ref[...]) + b_ref[...]
    t = jnp.maximum(t, 0.0)
    h2 = jnp.dot(t, w_ref[...], preferred_element_type=jnp.float32)
    out_ref[...] = h2 * dis


def _tc_k2(a0, a1, hs, dis, b1, w2):
    grid = (N // _BLK,)
    return pl.pallas_call(
        _k2_body,
        grid=grid,
        in_specs=[
            pl.BlockSpec((_BLK, D), lambda i: (i, 0)),
            pl.BlockSpec((_BLK, D), lambda i: (i, 0)),
            pl.BlockSpec((_BLK, D), lambda i: (i, 0)),
            pl.BlockSpec((_BLK, 1), lambda i: (i, 0)),
            pl.BlockSpec((1, D), lambda i: (0, 0)),
            pl.BlockSpec((D, D), lambda i: (0, 0)),
        ],
        out_specs=pl.BlockSpec((_BLK, D), lambda i: (i, 0)),
        out_shape=jax.ShapeDtypeStruct((N, D), jnp.float32),
    )(a0, a1, hs, dis, b1, w2)


def _k3_body(a0_ref, a1_ref, hs_ref, dis_ref, b_ref, out_ref):
    out_ref[...] = (dis_ref[...] * (a0_ref[...] + a1_ref[...] + hs_ref[...])
                    + b_ref[...])


def _tc_k3(a0, a1, hs, dis, b2):
    grid = (N // _BLK,)
    return pl.pallas_call(
        _k3_body,
        grid=grid,
        in_specs=[
            pl.BlockSpec((_BLK, D), lambda i: (i, 0)),
            pl.BlockSpec((_BLK, D), lambda i: (i, 0)),
            pl.BlockSpec((_BLK, D), lambda i: (i, 0)),
            pl.BlockSpec((_BLK, 1), lambda i: (i, 0)),
            pl.BlockSpec((1, D), lambda i: (0, 0)),
        ],
        out_specs=pl.BlockSpec((_BLK, D), lambda i: (i, 0)),
        out_shape=jax.ShapeDtypeStruct((N, D), jnp.float32),
    )(a0, a1, hs, dis, b2)


@jax.jit
def kernel(x, edge_index, W1, b1, W2, b2):
    e = edge_index.shape[1]
    per_tile_chunks = -(-e // (NW * CHUNK))
    per_tile_chunks = -(-per_tile_chunks // 3) * 3
    e_pad = per_tile_chunks * NW * CHUNK
    pad = e_pad - e
    n_chunks = e_pad // (NW * CHUNK)
    src = jnp.concatenate([edge_index[0], jnp.zeros((pad,), jnp.int32)])
    dst = jnp.concatenate([edge_index[1], jnp.full((pad,), N, jnp.int32)])
    dst = dst.reshape(NW, n_chunks, CHUNK)
    ed_pad = -(-e // (NW * CHUNK_D)) * NW * CHUNK_D
    dstd = jnp.concatenate(
        [edge_index[1], jnp.full((ed_pad - e,), N, jnp.int32)])
    dstd = dstd.reshape(NW, ed_pad // (NW * CHUNK_D), CHUNK_D)

    zeros1 = jnp.zeros((ROWS_PAD,), jnp.float32)
    zeros2 = jnp.zeros((ROWS_AGG, D), jnp.float32)

    deg_p = _make_deg_kernel(ed_pad)(dstd, zeros1)
    dega = deg_p[0, :N].reshape(N, 1)
    degb = deg_p[1, :N].reshape(N, 1)

    hs1, dis = _tc_k1(x, W1, dega, degb)

    agg_fn = _make_agg_kernel(e_pad)
    agg1 = agg_fn(hs1, src, dst, zeros2)
    hs2 = _tc_k2(agg1[0, :N], agg1[1, :N], hs1, dis,
                 b1.reshape(1, D), W2)

    agg2 = agg_fn(hs2, src, dst, zeros2)
    out = _tc_k3(agg2[0, :N], agg2[1, :N], hs2, dis, b2.reshape(1, D))
    return out

# --- scband reference (transcript-rebuilt; emitter-appended) ---
"""Pipeline reference for scband-gnn-2-7275674599612 (READ-ONLY COPY).

The authoritative reference and input builder live on the scoring server;
editing this copy changes nothing except your own understanding.
"""

import jax, jax.numpy as jnp
import numpy as np

N = 10000
E = 320000
D_IN = 128
D_HID = 128
D_OUT = 128


def _gcn_conv(x, edge_index, W, b):
    n = x.shape[0]
    src = edge_index[0]
    dst = edge_index[1]
    # add self-loops (PyG GCNConv default)
    loop = jnp.arange(n, dtype=src.dtype)
    src = jnp.concatenate([src, loop])
    dst = jnp.concatenate([dst, loop])
    # symmetric normalization D^{-1/2} A_hat D^{-1/2}
    deg = jnp.zeros((n,), dtype=x.dtype).at[dst].add(1.0)
    deg_inv_sqrt = jnp.where(deg > 0, jax.lax.rsqrt(jnp.maximum(deg, 1e-12)), 0.0)
    norm = deg_inv_sqrt[src] * deg_inv_sqrt[dst]
    # linear transform then gather / scatter-add aggregation
    h = x @ W
    msg = h[src] * norm[:, None]
    out = jnp.zeros((n, W.shape[1]), dtype=x.dtype).at[dst].add(msg)
    return out + b


def setup_inputs(seed: int = 0):
    key = jax.random.key(seed)
    k1, k2, k3, k4, k5, k6 = jax.random.split(key, 6)
    x = jax.random.normal(k1, (N, D_IN), dtype=jnp.float32)
    edge_index = jax.random.randint(k2, (2, E), 0, N, dtype=jnp.int32)
    # glorot-style init for the two GCNConv weights, zero bias (PyG default)
    W1 = jax.random.normal(k3, (D_IN, D_HID), dtype=jnp.float32) * (1.0 / np.sqrt(D_IN))
    b1 = jnp.zeros((D_HID,), dtype=jnp.float32)
    W2 = jax.random.normal(k4, (D_HID, D_OUT), dtype=jnp.float32) * (1.0 / np.sqrt(D_HID))
    b2 = jnp.zeros((D_OUT,), dtype=jnp.float32)
    return {"x": x, "edge_index": edge_index, "W1": W1, "b1": b1, "W2": W2, "b2": b2}


def reference(x, edge_index, W1, b1, W2, b2):
    h = _gcn_conv(x, edge_index, W1, b1)
    h = jax.nn.relu(h)
    out = _gcn_conv(h, edge_index, W2, b2)
    return out

if __name__ == "__main__":
    import jax
    _d = setup_inputs()
    print(jax.jit(kernel)(*tuple(_d.values())))

</pallas_src>

<mosaic_0001>
#map = affine_map<(d0, d1) -> (0, 0)>
#map1 = affine_map<(d0, d1) -> (0)>
#map2 = affine_map<(d0, d1) -> (0, 0, 0)>
module attributes {stable_mosaic.version = 14 : i64} {
  func.func @agg_kernel(%arg0: i32, %arg1: i32, %arg2: memref<10000x128xf32, #tpu.memory_space<hbm>>, %arg3: memref<321024xi32, #tpu.memory_space<hbm>>, %arg4: memref<32x114x88xi32, #tpu.memory_space<hbm>>, %arg5: memref<10112x128xf32, #tpu.memory_space<hbm>>, %arg6: memref<2x10112x128xf32, #tpu.memory_space<hbm>>, %arg7: memref<114x88xi32, #tpu.memory_space<vmem>>, %arg8: memref<88xi32, #tpu.memory_space<vmem>>, %arg9: memref<88xi32, #tpu.memory_space<vmem>>, %arg10: memref<88xi32, #tpu.memory_space<vmem>>, %arg11: memref<88x128xf32, #tpu.memory_space<vmem>>, %arg12: memref<88x128xf32, #tpu.memory_space<vmem>>, %arg13: memref<88x128xf32, #tpu.memory_space<vmem>>, %arg14: memref<10112x128xf32, #tpu.memory_space<vmem_shared>>, %arg15: memref<!tpu.dma_semaphore, #tpu.memory_space<semaphore_mem>>, %arg16: memref<!tpu.dma_semaphore, #tpu.memory_space<semaphore_mem>>, %arg17: memref<!tpu.dma_semaphore, #tpu.memory_space<semaphore_mem>>, %arg18: memref<!tpu.dma_semaphore, #tpu.memory_space<semaphore_mem>>, %arg19: memref<!tpu.dma_semaphore, #tpu.memory_space<semaphore_mem>>, %arg20: memref<!tpu.dma_semaphore, #tpu.memory_space<semaphore_mem>>) attributes {dimension_semantics = [#tpu.dimension_semantics<core_parallel>, #tpu.dimension_semantics<subcore_parallel>], iteration_bounds = array<i64: 2, 16>, scalar_prefetch = 0 : i64, scratch_operands = 14 : i64, tpu.core_type = #tpu.core_type<sc_vector_subcore>, window_params = [{transform_indices = #map}, {transform_indices = #map1}, {transform_indices = #map2}, {transform_indices = #map}, {transform_indices = #map2}]} {
    %mul3A = arith.constant 2 : i32
    %mul3A_0 = arith.muli %arg1, %mul3A : i32
    %add3A = arith.addi %mul3A_0, %arg0 : i32
    %mul3A_1 = arith.constant 10032 : i32
    %mul3A_2 = arith.muli %add3A, %mul3A_1 : i32
    %mul3A_3 = arith.constant 632 : i32
    %mul3A_4 = arith.muli %arg1, %mul3A_3 : i32
    %mul3A_5 = arith.constant 632 : i32
    %mul3A_6 = arith.muli %arg1, %mul3A_5 : i32
    "tpu.region"() ({
      %run_scoped3A = tpu.sem_alloc : memref<!tpu.dma_semaphore, #tpu.memory_space<semaphore_mem>>
      %dma_start3A_42 = arith.constant 0 : i32
      %dma_start3A_43 = tpu.memref_slice %arg14[%mul3A_6, %dma_start3A_42] : memref<10112x128xf32, #tpu.memory_space<vmem_shared>> -> memref<632x128xf32, #tpu.memory_space<vmem_shared>>
      %dma_start3A_44 = arith.constant 0 : i32
      %dma_start3A_45 = tpu.memref_slice %arg5[%mul3A_4, %dma_start3A_44] : memref<10112x128xf32, #tpu.memory_space<hbm>> -> memref<632x128xf32, #tpu.memory_space<hbm>>
      tpu.enqueue_dma source(%dma_start3A_45 : memref<632x128xf32, #tpu.memory_space<hbm>>) target(%dma_start3A_43 : memref<632x128xf32, #tpu.memory_space<vmem_shared>>) target_semaphore(%run_scoped3A : memref<!tpu.dma_semaphore, #tpu.memory_space<semaphore_mem>>)
      %dma_wait3A_46 = arith.constant 0 : i32
      %dma_wait3A_47 = tpu.memref_slice %arg14[%mul3A_6, %dma_wait3A_46] : memref<10112x128xf32, #tpu.memory_space<vmem_shared>> -> memref<632x128xf32, #tpu.memory_space<vmem_shared>>
      %dma_wait3A_48 = arith.constant 0 : i32
      %dma_wait3A_49 = tpu.memref_slice %arg5[%mul3A_4, %dma_wait3A_48] : memref<10112x128xf32, #tpu.memory_space<hbm>> -> memref<632x128xf32, #tpu.memory_space<hbm>>
      tpu.wait_dma2 semaphore(%run_scoped3A : memref<!tpu.dma_semaphore, #tpu.memory_space<semaphore_mem>>) src(%dma_wait3A_49 : memref<632x128xf32, #tpu.memory_space<hbm>>) dst(%dma_wait3A_47 : memref<632x128xf32, #tpu.memory_space<vmem_shared>>)
      tpu.yield
    }) : () -> ()
    "tpu.region"() ({
      %run_scoped3A = tpu.sem_alloc : memref<!tpu.dma_semaphore, #tpu.memory_space<semaphore_mem>>
      %dma_start3A_42 = arith.constant 0 : i32
      %dma_start3A_43 = arith.constant 0 : i32
      %dma_start3A_44 = tpu.memref_slice %arg4[%add3A, %dma_start3A_42, %dma_start3A_43] : memref<32x114x88xi32, #tpu.memory_space<hbm>> -> memref<1x114x88xi32, #tpu.memory_space<hbm>>
      %dma_start3A_45 = tpu.memref_squeeze %dma_start3A_44 : memref<1x114x88xi32, #tpu.memory_space<hbm>> -> memref<114x88xi32, #tpu.memory_space<hbm>>
      %dma_start3A_46 = arith.constant 0 : i32
      %dma_start3A_47 = arith.constant 0 : i32
      %dma_start3A_48 = tpu.memref_slice %arg4[%add3A, %dma_start3A_46, %dma_start3A_47] : memref<32x114x88xi32, #tpu.memory_space<hbm>> -> memref<1x114x88xi32, #tpu.memory_space<hbm>>
      %dma_start3A_49 = tpu.memref_squeeze %dma_start3A_48 : memref<1x114x88xi32, #tpu.memory_space<hbm>> -> memref<114x88xi32, #tpu.memory_space<hbm>>
      tpu.enqueue_dma source(%dma_start3A_49 : memref<114x88xi32, #tpu.memory_space<hbm>>) target(%arg7 : memref<114x88xi32, #tpu.memory_space<vmem>>) target_semaphore(%run_scoped3A : memref<!tpu.dma_semaphore, #tpu.memory_space<semaphore_mem>>)
      %dma_wait3A_50 = arith.constant 0 : i32
      %dma_wait3A_51 = arith.constant 0 : i32
      %dma_wait3A_52 = tpu.memref_slice %arg4[%add3A, %dma_wait3A_50, %dma_wait3A_51] : memref<32x114x88xi32, #tpu.memory_space<hbm>> -> memref<1x114x88xi32, #tpu.memory_space<hbm>>
      %dma_wait3A_53 = tpu.memref_squeeze %dma_wait3A_52 : memref<1x114x88xi32, #tpu.memory_space<hbm>> -> memref<114x88xi32, #tpu.memory_space<hbm>>
      %dma_wait3A_54 = arith.constant 0 : i32
      %dma_wait3A_55 = arith.constant 0 : i32
      %dma_wait3A_56 = tpu.memref_slice %arg4[%add3A, %dma_wait3A_54, %dma_wait3A_55] : memref<32x114x88xi32, #tpu.memory_space<hbm>> -> memref<1x114x88xi32, #tpu.memory_space<hbm>>
      %dma_wait3A_57 = tpu.memref_squeeze %dma_wait3A_56 : memref<1x114x88xi32, #tpu.memory_space<hbm>> -> memref<114x88xi32, #tpu.memory_space<hbm>>
      tpu.wait_dma2 semaphore(%run_scoped3A : memref<!tpu.dma_semaphore, #tpu.memory_space<semaphore_mem>>) src(%dma_wait3A_57 : memref<114x88xi32, #tpu.memory_space<hbm>>) dst(%arg7 : memref<114x88xi32, #tpu.memory_space<vmem>>)
      tpu.yield
    }) : () -> ()
    %barrier3A = arith.constant 0 : index
    tpu.barrier barrier_id(%barrier3A)
    %add3A_7 = arith.constant 0 : i32
    %add3A_8 = arith.addi %mul3A_2, %add3A_7 : i32
    %dma_start3A = tpu.memref_slice %arg3[%add3A_8] : memref<321024xi32, #tpu.memory_space<hbm>> -> memref<88xi32, #tpu.memory_space<hbm>>
    %dma_start3A_9 = tpu.memref_slice %arg3[%add3A_8] : memref<321024xi32, #tpu.memory_space<hbm>> -> memref<88xi32, #tpu.memory_space<hbm>>
    tpu.enqueue_dma source(%dma_start3A_9 : memref<88xi32, #tpu.memory_space<hbm>>) target(%arg8 : memref<88xi32, #tpu.memory_space<vmem>>) target_semaphore(%arg18 : memref<!tpu.dma_semaphore, #tpu.memory_space<semaphore_mem>>)
    %add3A_10 = arith.constant 88 : i32
    %add3A_11 = arith.addi %mul3A_2, %add3A_10 : i32
    %dma_start3A_12 = tpu.memref_slice %arg3[%add3A_11] : memref<321024xi32, #tpu.memory_space<hbm>> -> memref<88xi32, #tpu.memory_space<hbm>>
    %dma_start3A_13 = tpu.memref_slice %arg3[%add3A_11] : memref<321024xi32, #tpu.memory_space<hbm>> -> memref<88xi32, #tpu.memory_space<hbm>>
    tpu.enqueue_dma source(%dma_start3A_13 : memref<88xi32, #tpu.memory_space<hbm>>) target(%arg9 : memref<88xi32, #tpu.memory_space<vmem>>) target_semaphore(%arg19 : memref<!tpu.dma_semaphore, #tpu.memory_space<semaphore_mem>>)
    %add3A_14 = arith.constant 176 : i32
    %add3A_15 = arith.addi %mul3A_2, %add3A_14 : i32
    %dma_start3A_16 = tpu.memref_slice %arg3[%add3A_15] : memref<321024xi32, #tpu.memory_space<hbm>> -> memref<88xi32, #tpu.memory_space<hbm>>
    %dma_start3A_17 = tpu.memref_slice %arg3[%add3A_15] : memref<321024xi32, #tpu.memory_space<hbm>> -> memref<88xi32, #tpu.memory_space<hbm>>
    tpu.enqueue_dma source(%dma_start3A_17 : memref<88xi32, #tpu.memory_space<hbm>>) target(%arg10 : memref<88xi32, #tpu.memory_space<vmem>>) target_semaphore(%arg20 : memref<!tpu.dma_semaphore, #tpu.memory_space<semaphore_mem>>)
    %dma_wait3A = tpu.memref_slice %arg3[%mul3A_2] : memref<321024xi32, #tpu.memory_space<hbm>> -> memref<88xi32, #tpu.memory_space<hbm>>
    %dma_wait3A_18 = tpu.memref_slice %arg3[%mul3A_2] : memref<321024xi32, #tpu.memory_space<hbm>> -> memref<88xi32, #tpu.memory_space<hbm>>
    tpu.wait_dma2 semaphore(%arg18 : memref<!tpu.dma_semaphore, #tpu.memory_space<semaphore_mem>>) src(%dma_wait3A_18 : memref<88xi32, #tpu.memory_space<hbm>>) dst(%arg8 : memref<88xi32, #tpu.memory_space<vmem>>)
    %dma_start3A_19 = arith.constant 0 : i32
    %dma_start3A_20 = arith.constant 0 : i32
    %dma_start3A_21 = tpu.memref_slice %arg2[%dma_start3A_19, %dma_start3A_20] : memref<10000x128xf32, #tpu.memory_space<hbm>> -> memref<10000x128xf32, #tpu.memory_space<hbm>>
    tpu.enqueue_indirect_dma source(%dma_start3A_21 : memref<10000x128xf32, #tpu.memory_space<hbm>>) target(%arg11 : memref<88x128xf32, #tpu.memory_space<vmem>>) offsets(%arg8 : memref<88xi32, #tpu.memory_space<vmem>>) semaphore(%arg15 : memref<!tpu.dma_semaphore, #tpu.memory_space<semaphore_mem>>)
    %dma_wait3A_22 = tpu.memref_slice %arg3[%mul3A_2] : memref<321024xi32, #tpu.memory_space<hbm>> -> memref<88xi32, #tpu.memory_space<hbm>>
    %dma_wait3A_23 = tpu.memref_slice %arg3[%mul3A_2] : memref<321024xi32, #tpu.memory_space<hbm>> -> memref<88xi32, #tpu.memory_space<hbm>>
    tpu.wait_dma2 semaphore(%arg19 : memref<!tpu.dma_semaphore, #tpu.memory_space<semaphore_mem>>) src(%dma_wait3A_23 : memref<88xi32, #tpu.memory_space<hbm>>) dst(%arg9 : memref<88xi32, #tpu.memory_space<vmem>>)
    %dma_start3A_24 = arith.constant 0 : i32
    %dma_start3A_25 = arith.constant 0 : i32
    %dma_start3A_26 = tpu.memref_slice %arg2[%dma_start3A_24, %dma_start3A_25] : memref<10000x128xf32, #tpu.memory_space<hbm>> -> memref<10000x128xf32, #tpu.memory_space<hbm>>
    tpu.enqueue_indirect_dma source(%dma_start3A_26 : memref<10000x128xf32, #tpu.memory_space<hbm>>) target(%arg12 : memref<88x128xf32, #tpu.memory_space<vmem>>) offsets(%arg9 : memref<88xi32, #tpu.memory_space<vmem>>) semaphore(%arg16 : memref<!tpu.dma_semaphore, #tpu.memory_space<semaphore_mem>>)
    %dma_wait3A_27 = tpu.memref_slice %arg3[%mul3A_2] : memref<321024xi32, #tpu.memory_space<hbm>> -> memref<88xi32, #tpu.memory_space<hbm>>
    %dma_wait3A_28 = tpu.memref_slice %arg3[%mul3A_2] : memref<321024xi32, #tpu.memory_space<hbm>> -> memref<88xi32, #tpu.memory_space<hbm>>
    tpu.wait_dma2 semaphore(%arg20 : memref<!tpu.dma_semaphore, #tpu.memory_space<semaphore_mem>>) src(%dma_wait3A_28 : memref<88xi32, #tpu.memory_space<hbm>>) dst(%arg10 : memref<88xi32, #tpu.memory_space<vmem>>)
    %dma_start3A_29 = arith.constant 0 : i32
    %dma_start3A_30 = arith.constant 0 : i32
    %dma_start3A_31 = tpu.memref_slice %arg2[%dma_start3A_29, %dma_start3A_30] : memref<10000x128xf32, #tpu.memory_space<hbm>> -> memref<10000x128xf32, #tpu.memory_space<hbm>>
    tpu.enqueue_indirect_dma source(%dma_start3A_31 : memref<10000x128xf32, #tpu.memory_space<hbm>>) target(%arg13 : memref<88x128xf32, #tpu.memory_space<vmem>>) offsets(%arg10 : memref<88xi32, #tpu.memory_space<vmem>>) semaphore(%arg17 : memref<!tpu.dma_semaphore, #tpu.memory_space<semaphore_mem>>)
    %scan3A = arith.constant 0 : i32
    %scan3A_32 = arith.constant 0 : i32
    %scan3A_33 = arith.constant 38 : i32
    %scan3A_34 = arith.addi %scan3A_32, %scan3A_33 : i32
    %scan3A_35 = arith.constant 1 : i32
    scf.for %scan3A_42 = %scan3A_32 to %scan3A_34 step %scan3A_35  : i32 {
      %mul3A_43 = arith.constant 3 : i32
      %mul3A_44 = arith.muli %mul3A_43, %scan3A_42 : i32
      %dma_wait3A_45 = arith.constant 0 : i32
      %dma_wait3A_46 = arith.constant 0 : i32
      %dma_wait3A_47 = tpu.memref_slice %arg2[%dma_wait3A_45, %dma_wait3A_46] : memref<10000x128xf32, #tpu.memory_space<hbm>> -> memref<10000x128xf32, #tpu.memory_space<hbm>>
      tpu.wait_indirect_dma semaphore(%arg15 : memref<!tpu.dma_semaphore, #tpu.memory_space<semaphore_mem>>) src(%dma_wait3A_47 : memref<10000x128xf32, #tpu.memory_space<hbm>>) dst(%arg11 : memref<88x128xf32, #tpu.memory_space<vmem>>)
      %add3A_48 = arith.constant 3 : i32
      %add3A_49 = arith.addi %mul3A_44, %add3A_48 : i32
      %lt3A = arith.constant 114 : i32
      %lt3A_50 = arith.cmpi slt, %add3A_49, %lt3A : i32
      %convert_element_type3A = arith.extui %lt3A_50 : i1 to i32
      %cond3A = arith.constant 0 : i32
      %cond3A_51 = arith.cmpi ne, %convert_element_type3A, %cond3A : i32
      scf.if %cond3A_51 {
        %add3A_97 = arith.constant 3 : i32
        %add3A_98 = arith.addi %mul3A_44, %add3A_97 : i32
        %mul3A_99 = arith.constant 88 : i32
        %mul3A_100 = arith.muli %add3A_98, %mul3A_99 : i32
        %add3A_101 = arith.addi %mul3A_2, %mul3A_100 : i32
        %dma_start3A_102 = tpu.memref_slice %arg3[%add3A_101] : memref<321024xi32, #tpu.memory_space<hbm>> -> memref<88xi32, #tpu.memory_space<hbm>>
        %dma_start3A_103 = tpu.memref_slice %arg3[%add3A_101] : memref<321024xi32, #tpu.memory_space<hbm>> -> memref<88xi32, #tpu.memory_space<hbm>>
        tpu.enqueue_dma source(%dma_start3A_103 : memref<88xi32, #tpu.memory_space<hbm>>) target(%arg8 : memref<88xi32, #tpu.memory_space<vmem>>) target_semaphore(%arg18 : memref<!tpu.dma_semaphore, #tpu.memory_space<semaphore_mem>>)
      } else {
      }
      "tpu.region"() ({
        %run_scoped3A = tpu.sem_alloc : memref<!tpu.dma_semaphore, #tpu.memory_space<semaphore_mem>>
        %dma_start3A_97 = arith.constant 0 : i32
        %dma_start3A_98 = tpu.memref_slice %arg7[%mul3A_44, %dma_start3A_97] : memref<114x88xi32, #tpu.memory_space<vmem>> -> memref<1x88xi32, #tpu.memory_space<vmem>>
        %dma_start3A_99 = tpu.memref_squeeze %dma_start3A_98 : memref<1x88xi32, #tpu.memory_space<vmem>> -> memref<88xi32, #tpu.memory_space<vmem>>
        %dma_start3A_100 = arith.constant 0 : i32
        %dma_start3A_101 = arith.constant 0 : i32
        %dma_start3A_102 = tpu.memref_slice %arg14[%dma_start3A_100, %dma_start3A_101] : memref<10112x128xf32, #tpu.memory_space<vmem_shared>> -> memref<10112x128xf32, #tpu.memory_space<vmem_shared>>
        tpu.enqueue_indirect_dma source(%arg11 : memref<88x128xf32, #tpu.memory_space<vmem>>) target(%dma_start3A_102 : memref<10112x128xf32, #tpu.memory_space<vmem_shared>>) offsets(%dma_start3A_99 : memref<88xi32, #tpu.memory_space<vmem>>) semaphore(%run_scoped3A : memref<!tpu.dma_semaphore, #tpu.memory_space<semaphore_mem>>) {add = true}
        %dma_wait3A_103 = arith.constant 0 : i32
        %dma_wait3A_104 = tpu.memref_slice %arg7[%mul3A_44, %dma_wait3A_103] : memref<114x88xi32, #tpu.memory_space<vmem>> -> memref<1x88xi32, #tpu.memory_space<vmem>>
        %dma_wait3A_105 = tpu.memref_squeeze %dma_wait3A_104 : memref<1x88xi32, #tpu.memory_space<vmem>> -> memref<88xi32, #tpu.memory_space<vmem>>
        %dma_wait3A_106 = arith.constant 0 : i32
        %dma_wait3A_107 = arith.constant 0 : i32
        %dma_wait3A_108 = tpu.memref_slice %arg14[%dma_wait3A_106, %dma_wait3A_107] : memref<10112x128xf32, #tpu.memory_space<vmem_shared>> -> memref<10112x128xf32, #tpu.memory_space<vmem_shared>>
        tpu.wait_indirect_dma semaphore(%run_scoped3A : memref<!tpu.dma_semaphore, #tpu.memory_space<semaphore_mem>>) src(%arg11 : memref<88x128xf32, #tpu.memory_space<vmem>>) dst(%dma_wait3A_108 : memref<10112x128xf32, #tpu.memory_space<vmem_shared>>)
        tpu.yield
      }) : () -> ()
      %add3A_52 = arith.constant 3 : i32
      %add3A_53 = arith.addi %mul3A_44, %add3A_52 : i32
      %lt3A_54 = arith.constant 114 : i32
      %lt3A_55 = arith.cmpi slt, %add3A_53, %lt3A_54 : i32
      %convert_element_type3A_56 = arith.extui %lt3A_55 : i1 to i32
      %cond3A_57 = arith.constant 0 : i32
      %cond3A_58 = arith.cmpi ne, %convert_element_type3A_56, %cond3A_57 : i32
      scf.if %cond3A_58 {
        %dma_wait3A_97 = tpu.memref_slice %arg3[%mul3A_2] : memref<321024xi32, #tpu.memory_space<hbm>> -> memref<88xi32, #tpu.memory_space<hbm>>
        %dma_wait3A_98 = tpu.memref_slice %arg3[%mul3A_2] : memref<321024xi32, #tpu.memory_space<hbm>> -> memref<88xi32, #tpu.memory_space<hbm>>
        tpu.wait_dma2 semaphore(%arg18 : memref<!tpu.dma_semaphore, #tpu.memory_space<semaphore_mem>>) src(%dma_wait3A_98 : memref<88xi32, #tpu.memory_space<hbm>>) dst(%arg8 : memref<88xi32, #tpu.memory_space<vmem>>)
        %dma_start3A_99 = arith.constant 0 : i32
        %dma_start3A_100 = arith.constant 0 : i32
        %dma_start3A_101 = tpu.memref_slice %arg2[%dma_start3A_99, %dma_start3A_100] : memref<10000x128xf32, #tpu.memory_space<hbm>> -> memref<10000x128xf32, #tpu.memory_space<hbm>>
        tpu.enqueue_indirect_dma source(%dma_start3A_101 : memref<10000x128xf32, #tpu.memory_space<hbm>>) target(%arg11 : memref<88x128xf32, #tpu.memory_space<vmem>>) offsets(%arg8 : memref<88xi32, #tpu.memory_space<vmem>>) semaphore(%arg15 : memref<!tpu.dma_semaphore, #tpu.memory_space<semaphore_mem>>)
      } else {
      }
      %add3A_59 = arith.constant 1 : i32
      %add3A_60 = arith.addi %mul3A_44, %add3A_59 : i32
      %dma_wait3A_61 = arith.constant 0 : i32
      %dma_wait3A_62 = arith.constant 0 : i32
      %dma_wait3A_63 = tpu.memref_slice %arg2[%dma_wait3A_61, %dma_wait3A_62] : memref<10000x128xf32, #tpu.memory_space<hbm>> -> memref<10000x128xf32, #tpu.memory_space<hbm>>
      tpu.wait_indirect_dma semaphore(%arg16 : memref<!tpu.dma_semaphore, #tpu.memory_space<semaphore_mem>>) src(%dma_wait3A_63 : memref<10000x128xf32, #tpu.memory_space<hbm>>) dst(%arg12 : memref<88x128xf32, #tpu.memory_space<vmem>>)
      %add3A_64 = arith.constant 3 : i32
      %add3A_65 = arith.addi %add3A_60, %add3A_64 : i32
      %lt3A_66 = arith.constant 114 : i32
      %lt3A_67 = arith.cmpi slt, %add3A_65, %lt3A_66 : i32
      %convert_element_type3A_68 = arith.extui %lt3A_67 : i1 to i32
      %cond3A_69 = arith.constant 0 : i32
      %cond3A_70 = arith.cmpi ne, %convert_element_type3A_68, %cond3A_69 : i32
      scf.if %cond3A_70 {
        %add3A_97 = arith.constant 3 : i32
        %add3A_98 = arith.addi %add3A_60, %add3A_97 : i32
        %mul3A_99 = arith.constant 88 : i32
        %mul3A_100 = arith.muli %add3A_98, %mul3A_99 : i32
        %add3A_101 = arith.addi %mul3A_2, %mul3A_100 : i32
        %dma_start3A_102 = tpu.memref_slice %arg3[%add3A_101] : memref<321024xi32, #tpu.memory_space<hbm>> -> memref<88xi32, #tpu.memory_space<hbm>>
        %dma_start3A_103 = tpu.memref_slice %arg3[%add3A_101] : memref<321024xi32, #tpu.memory_space<hbm>> -> memref<88xi32, #tpu.memory_space<hbm>>
        tpu.enqueue_dma source(%dma_start3A_103 : memref<88xi32, #tpu.memory_space<hbm>>) target(%arg9 : memref<88xi32, #tpu.memory_space<vmem>>) target_semaphore(%arg19 : memref<!tpu.dma_semaphore, #tpu.memory_space<semaphore_mem>>)
      } else {
      }
      "tpu.region"() ({
        %run_scoped3A = tpu.sem_alloc : memref<!tpu.dma_semaphore, #tpu.memory_space<semaphore_mem>>
        %dma_start3A_97 = arith.constant 0 : i32
        %dma_start3A_98 = tpu.memref_slice %arg7[%add3A_60, %dma_start3A_97] : memref<114x88xi32, #tpu.memory_space<vmem>> -> memref<1x88xi32, #tpu.memory_space<vmem>>
        %dma_start3A_99 = tpu.memref_squeeze %dma_start3A_98 : memref<1x88xi32, #tpu.memory_space<vmem>> -> memref<88xi32, #tpu.memory_space<vmem>>
        %dma_start3A_100 = arith.constant 0 : i32
        %dma_start3A_101 = arith.constant 0 : i32
        %dma_start3A_102 = tpu.memref_slice %arg14[%dma_start3A_100, %dma_start3A_101] : memref<10112x128xf32, #tpu.memory_space<vmem_shared>> -> memref<10112x128xf32, #tpu.memory_space<vmem_shared>>
        tpu.enqueue_indirect_dma source(%arg12 : memref<88x128xf32, #tpu.memory_space<vmem>>) target(%dma_start3A_102 : memref<10112x128xf32, #tpu.memory_space<vmem_shared>>) offsets(%dma_start3A_99 : memref<88xi32, #tpu.memory_space<vmem>>) semaphore(%run_scoped3A : memref<!tpu.dma_semaphore, #tpu.memory_space<semaphore_mem>>) {add = true}
        %dma_wait3A_103 = arith.constant 0 : i32
        %dma_wait3A_104 = tpu.memref_slice %arg7[%add3A_60, %dma_wait3A_103] : memref<114x88xi32, #tpu.memory_space<vmem>> -> memref<1x88xi32, #tpu.memory_space<vmem>>
        %dma_wait3A_105 = tpu.memref_squeeze %dma_wait3A_104 : memref<1x88xi32, #tpu.memory_space<vmem>> -> memref<88xi32, #tpu.memory_space<vmem>>
        %dma_wait3A_106 = arith.constant 0 : i32
        %dma_wait3A_107 = arith.constant 0 : i32
        %dma_wait3A_108 = tpu.memref_slice %arg14[%dma_wait3A_106, %dma_wait3A_107] : memref<10112x128xf32, #tpu.memory_space<vmem_shared>> -> memref<10112x128xf32, #tpu.memory_space<vmem_shared>>
        tpu.wait_indirect_dma semaphore(%run_scoped3A : memref<!tpu.dma_semaphore, #tpu.memory_space<semaphore_mem>>) src(%arg12 : memref<88x128xf32, #tpu.memory_space<vmem>>) dst(%dma_wait3A_108 : memref<10112x128xf32, #tpu.memory_space<vmem_shared>>)
        tpu.yield
      }) : () -> ()
      %add3A_71 = arith.constant 3 : i32
      %add3A_72 = arith.addi %add3A_60, %add3A_71 : i32
      %lt3A_73 = arith.constant 114 : i32
      %lt3A_74 = arith.cmpi slt, %add3A_72, %lt3A_73 : i32
      %convert_element_type3A_75 = arith.extui %lt3A_74 : i1 to i32
      %cond3A_76 = arith.constant 0 : i32
      %cond3A_77 = arith.cmpi ne, %convert_element_type3A_75, %cond3A_76 : i32
      scf.if %cond3A_77 {
        %dma_wait3A_97 = tpu.memref_slice %arg3[%mul3A_2] : memref<321024xi32, #tpu.memory_space<hbm>> -> memref<88xi32, #tpu.memory_space<hbm>>
        %dma_wait3A_98 = tpu.memref_slice %arg3[%mul3A_2] : memref<321024xi32, #tpu.memory_space<hbm>> -> memref<88xi32, #tpu.memory_space<hbm>>
        tpu.wait_dma2 semaphore(%arg19 : memref<!tpu.dma_semaphore, #tpu.memory_space<semaphore_mem>>) src(%dma_wait3A_98 : memref<88xi32, #tpu.memory_space<hbm>>) dst(%arg9 : memref<88xi32, #tpu.memory_space<vmem>>)
        %dma_start3A_99 = arith.constant 0 : i32
        %dma_start3A_100 = arith.constant 0 : i32
        %dma_start3A_101 = tpu.memref_slice %arg2[%dma_start3A_99, %dma_start3A_100] : memref<10000x128xf32, #tpu.memory_space<hbm>> -> memref<10000x128xf32, #tpu.memory_space<hbm>>
        tpu.enqueue_indirect_dma source(%dma_start3A_101 : memref<10000x128xf32, #tpu.memory_space<hbm>>) target(%arg12 : memref<88x128xf32, #tpu.memory_space<vmem>>) offsets(%arg9 : memref<88xi32, #tpu.memory_space<vmem>>) semaphore(%arg16 : memref<!tpu.dma_semaphore, #tpu.memory_space<semaphore_mem>>)
      } else {
      }
      %add3A_78 = arith.constant 2 : i32
      %add3A_79 = arith.addi %mul3A_44, %add3A_78 : i32
      %dma_wait3A_80 = arith.constant 0 : i32
      %dma_wait3A_81 = arith.constant 0 : i32
      %dma_wait3A_82 = tpu.memref_slice %arg2[%dma_wait3A_80, %dma_wait3A_81] : memref<10000x128xf32, #tpu.memory_space<hbm>> -> memref<10000x128xf32, #tpu.memory_space<hbm>>
      tpu.wait_indirect_dma semaphore(%arg17 : memref<!tpu.dma_semaphore, #tpu.memory_space<semaphore_mem>>) src(%dma_wait3A_82 : memref<10000x128xf32, #tpu.memory_space<hbm>>) dst(%arg13 : memref<88x128xf32, #tpu.memory_space<vmem>>)
      %add3A_83 = arith.constant 3 : i32
      %add3A_84 = arith.addi %add3A_79, %add3A_83 : i32
      %lt3A_85 = arith.constant 114 : i32
      %lt3A_86 = arith.cmpi slt, %add3A_84, %lt3A_85 : i32
      %convert_element_type3A_87 = arith.extui %lt3A_86 : i1 to i32
      %cond3A_88 = arith.constant 0 : i32
      %cond3A_89 = arith.cmpi ne, %convert_element_type3A_87, %cond3A_88 : i32
      scf.if %cond3A_89 {
        %add3A_97 = arith.constant 3 : i32
        %add3A_98 = arith.addi %add3A_79, %add3A_97 : i32
        %mul3A_99 = arith.constant 88 : i32
        %mul3A_100 = arith.muli %add3A_98, %mul3A_99 : i32
        %add3A_101 = arith.addi %mul3A_2, %mul3A_100 : i32
        %dma_start3A_102 = tpu.memref_slice %arg3[%add3A_101] : memref<321024xi32, #tpu.memory_space<hbm>> -> memref<88xi32, #tpu.memory_space<hbm>>
        %dma_start3A_103 = tpu.memref_slice %arg3[%add3A_101] : memref<321024xi32, #tpu.memory_space<hbm>> -> memref<88xi32, #tpu.memory_space<hbm>>
        tpu.enqueue_dma source(%dma_start3A_103 : memref<88xi32, #tpu.memory_space<hbm>>) target(%arg10 : memref<88xi32, #tpu.memory_space<vmem>>) target_semaphore(%arg20 : memref<!tpu.dma_semaphore, #tpu.memory_space<semaphore_mem>>)
      } else {
      }
      "tpu.region"() ({
        %run_scoped3A = tpu.sem_alloc : memref<!tpu.dma_semaphore, #tpu.memory_space<semaphore_mem>>
        %dma_start3A_97 = arith.constant 0 : i32
        %dma_start3A_98 = tpu.memref_slice %arg7[%add3A_79, %dma_start3A_97] : memref<114x88xi32, #tpu.memory_space<vmem>> -> memref<1x88xi32, #tpu.memory_space<vmem>>
        %dma_start3A_99 = tpu.memref_squeeze %dma_start3A_98 : memref<1x88xi32, #tpu.memory_space<vmem>> -> memref<88xi32, #tpu.memory_space<vmem>>
        %dma_start3A_100 = arith.constant 0 : i32
        %dma_start3A_101 = arith.constant 0 : i32
        %dma_start3A_102 = tpu.memref_slice %arg14[%dma_start3A_100, %dma_start3A_101] : memref<10112x128xf32, #tpu.memory_space<vmem_shared>> -> memref<10112x128xf32, #tpu.memory_space<vmem_shared>>
        tpu.enqueue_indirect_dma source(%arg13 : memref<88x128xf32, #tpu.memory_space<vmem>>) target(%dma_start3A_102 : memref<10112x128xf32, #tpu.memory_space<vmem_shared>>) offsets(%dma_start3A_99 : memref<88xi32, #tpu.memory_space<vmem>>) semaphore(%run_scoped3A : memref<!tpu.dma_semaphore, #tpu.memory_space<semaphore_mem>>) {add = true}
        %dma_wait3A_103 = arith.constant 0 : i32
        %dma_wait3A_104 = tpu.memref_slice %arg7[%add3A_79, %dma_wait3A_103] : memref<114x88xi32, #tpu.memory_space<vmem>> -> memref<1x88xi32, #tpu.memory_space<vmem>>
        %dma_wait3A_105 = tpu.memref_squeeze %dma_wait3A_104 : memref<1x88xi32, #tpu.memory_space<vmem>> -> memref<88xi32, #tpu.memory_space<vmem>>
        %dma_wait3A_106 = arith.constant 0 : i32
        %dma_wait3A_107 = arith.constant 0 : i32
        %dma_wait3A_108 = tpu.memref_slice %arg14[%dma_wait3A_106, %dma_wait3A_107] : memref<10112x128xf32, #tpu.memory_space<vmem_shared>> -> memref<10112x128xf32, #tpu.memory_space<vmem_shared>>
        tpu.wait_indirect_dma semaphore(%run_scoped3A : memref<!tpu.dma_semaphore, #tpu.memory_space<semaphore_mem>>) src(%arg13 : memref<88x128xf32, #tpu.memory_space<vmem>>) dst(%dma_wait3A_108 : memref<10112x128xf32, #tpu.memory_space<vmem_shared>>)
        tpu.yield
      }) : () -> ()
      %add3A_90 = arith.constant 3 : i32
      %add3A_91 = arith.addi %add3A_79, %add3A_90 : i32
      %lt3A_92 = arith.constant 114 : i32
      %lt3A_93 = arith.cmpi slt, %add3A_91, %lt3A_92 : i32
      %convert_element_type3A_94 = arith.extui %lt3A_93 : i1 to i32
      %cond3A_95 = arith.constant 0 : i32
      %cond3A_96 = arith.cmpi ne, %convert_element_type3A_94, %cond3A_95 : i32
      scf.if %cond3A_96 {
        %dma_wait3A_97 = tpu.memref_slice %arg3[%mul3A_2] : memref<321024xi32, #tpu.memory_space<hbm>> -> memref<88xi32, #tpu.memory_space<hbm>>
        %dma_wait3A_98 = tpu.memref_slice %arg3[%mul3A_2] : memref<321024xi32, #tpu.memory_space<hbm>> -> memref<88xi32, #tpu.memory_space<hbm>>
        tpu.wait_dma2 semaphore(%arg20 : memref<!tpu.dma_semaphore, #tpu.memory_space<semaphore_mem>>) src(%dma_wait3A_98 : memref<88xi32, #tpu.memory_space<hbm>>) dst(%arg10 : memref<88xi32, #tpu.memory_space<vmem>>)
        %dma_start3A_99 = arith.constant 0 : i32
        %dma_start3A_100 = arith.constant 0 : i32
        %dma_start3A_101 = tpu.memref_slice %arg2[%dma_start3A_99, %dma_start3A_100] : memref<10000x128xf32, #tpu.memory_space<hbm>> -> memref<10000x128xf32, #tpu.memory_space<hbm>>
        tpu.enqueue_indirect_dma source(%dma_start3A_101 : memref<10000x128xf32, #tpu.memory_space<hbm>>) target(%arg13 : memref<88x128xf32, #tpu.memory_space<vmem>>) offsets(%arg10 : memref<88xi32, #tpu.memory_space<vmem>>) semaphore(%arg17 : memref<!tpu.dma_semaphore, #tpu.memory_space<semaphore_mem>>)
      } else {
      }
    }
    %scan3A_36 = arith.constant 38 : i32
    %barrier3A_37 = arith.constant 0 : index
    tpu.barrier barrier_id(%barrier3A_37)
    %mul3A_38 = arith.constant 632 : i32
    %mul3A_39 = arith.muli %arg1, %mul3A_38 : i32
    %mul3A_40 = arith.constant 632 : i32
    %mul3A_41 = arith.muli %arg1, %mul3A_40 : i32
    "tpu.region"() ({
      %run_scoped3A = tpu.sem_alloc : memref<!tpu.dma_semaphore, #tpu.memory_space<semaphore_mem>>
      %dma_start3A_42 = arith.constant 0 : i32
      %dma_start3A_43 = tpu.memref_slice %arg6[%arg0, %mul3A_41, %dma_start3A_42] : memref<2x10112x128xf32, #tpu.memory_space<hbm>> -> memref<1x632x128xf32, #tpu.memory_space<hbm>>
      %dma_start3A_44 = tpu.memref_squeeze %dma_start3A_43 : memref<1x632x128xf32, #tpu.memory_space<hbm>> -> memref<632x128xf32, #tpu.memory_space<hbm>>
      %dma_start3A_45 = arith.constant 0 : i32
      %dma_start3A_46 = tpu.memref_slice %arg14[%mul3A_39, %dma_start3A_45] : memref<10112x128xf32, #tpu.memory_space<vmem_shared>> -> memref<632x128xf32, #tpu.memory_space<vmem_shared>>
      tpu.enqueue_dma source(%dma_start3A_46 : memref<632x128xf32, #tpu.memory_space<vmem_shared>>) target(%dma_start3A_44 : memref<632x128xf32, #tpu.memory_space<hbm>>) target_semaphore(%run_scoped3A : memref<!tpu.dma_semaphore, #tpu.memory_space<semaphore_mem>>)
      %dma_wait3A_47 = arith.constant 0 : i32
      %dma_wait3A_48 = tpu.memref_slice %arg6[%arg0, %mul3A_41, %dma_wait3A_47] : memref<2x10112x128xf32, #tpu.memory_space<hbm>> -> memref<1x632x128xf32, #tpu.memory_space<hbm>>
      %dma_wait3A_49 = tpu.memref_squeeze %dma_wait3A_48 : memref<1x632x128xf32, #tpu.memory_space<hbm>> -> memref<632x128xf32, #tpu.memory_space<hbm>>
      %dma_wait3A_50 = arith.constant 0 : i32
      %dma_wait3A_51 = tpu.memref_slice %arg14[%mul3A_39, %dma_wait3A_50] : memref<10112x128xf32, #tpu.memory_space<vmem_shared>> -> memref<632x128xf32, #tpu.memory_space<vmem_shared>>
      tpu.wait_dma2 semaphore(%run_scoped3A : memref<!tpu.dma_semaphore, #tpu.memory_space<semaphore_mem>>) src(%dma_wait3A_51 : memref<632x128xf32, #tpu.memory_space<vmem_shared>>) dst(%dma_wait3A_49 : memref<632x128xf32, #tpu.memory_space<hbm>>)
      tpu.yield
    }) : () -> ()
    return
  }
}

#map = affine_map<(d0, d1) -> (0, 0, 0)>
#map1 = affine_map<(d0, d1) -> (0)>
#map2 = affine_map<(d0, d1) -> (0, 0)>
module attributes {stable_mosaic.version = 14 : i64} {
  func.func @deg_kernel(%arg0: i32, %arg1: i32, %arg2: memref<32x125x80xi32, #tpu.memory_space<hbm>>, %arg3: memref<10240xf32, #tpu.memory_space<hbm>>, %arg4: memref<2x10240xf32, #tpu.memory_space<hbm>>, %arg5: memref<125x80xi32, #tpu.memory_space<vmem>>, %arg6: memref<80xf32, #tpu.memory_space<vmem>>, %arg7: memref<10240xf32, #tpu.memory_space<vmem_shared>>, %arg8: memref<!tpu.dma_semaphore, #tpu.memory_space<semaphore_mem>>) attributes {dimension_semantics = [#tpu.dimension_semantics<core_parallel>, #tpu.dimension_semantics<subcore_parallel>], iteration_bounds = array<i64: 2, 16>, scalar_prefetch = 0 : i64, scratch_operands = 4 : i64, tpu.core_type = #tpu.core_type<sc_vector_subcore>, window_params = [{transform_indices = #map}, {transform_indices = #map1}, {transform_indices = #map2}]} {
    %mul3A = arith.constant 2 : i32
    %mul3A_0 = arith.muli %arg1, %mul3A : i32
    %add3A = arith.addi %mul3A_0, %arg0 : i32
    %mul3A_1 = arith.constant 640 : i32
    %mul3A_2 = arith.muli %arg1, %mul3A_1 : i32
    %mul3A_3 = arith.constant 640 : i32
    %mul3A_4 = arith.muli %arg1, %mul3A_3 : i32
    "tpu.region"() ({
      %run_scoped3A = tpu.sem_alloc : memref<!tpu.dma_semaphore, #tpu.memory_space<semaphore_mem>>
      %dma_start3A = tpu.memref_slice %arg7[%mul3A_4] : memref<10240xf32, #tpu.memory_space<vmem_shared>> -> memref<640xf32, #tpu.memory_space<vmem_shared>>
      %dma_start3A_66 = tpu.memref_slice %arg3[%mul3A_2] : memref<10240xf32, #tpu.memory_space<hbm>> -> memref<640xf32, #tpu.memory_space<hbm>>
      tpu.enqueue_dma source(%dma_start3A_66 : memref<640xf32, #tpu.memory_space<hbm>>) target(%dma_start3A : memref<640xf32, #tpu.memory_space<vmem_shared>>) target_semaphore(%run_scoped3A : memref<!tpu.dma_semaphore, #tpu.memory_space<semaphore_mem>>)
      %dma_wait3A_67 = tpu.memref_slice %arg7[%mul3A_4] : memref<10240xf32, #tpu.memory_space<vmem_shared>> -> memref<640xf32, #tpu.memory_space<vmem_shared>>
      %dma_wait3A_68 = tpu.memref_slice %arg3[%mul3A_2] : memref<10240xf32, #tpu.memory_space<hbm>> -> memref<640xf32, #tpu.memory_space<hbm>>
      tpu.wait_dma2 semaphore(%run_scoped3A : memref<!tpu.dma_semaphore, #tpu.memory_space<semaphore_mem>>) src(%dma_wait3A_68 : memref<640xf32, #tpu.memory_space<hbm>>) dst(%dma_wait3A_67 : memref<640xf32, #tpu.memory_space<vmem_shared>>)
      tpu.yield
    }) : () -> ()
    %broadcast_in_dim3A = arith.constant 1.000000e+00 : f32
    %broadcast_in_dim3A_5 = vector.broadcast %broadcast_in_dim3A : f32 to vector<16xf32>
    %swap3A = arith.constant 0 : index
    %swap3A_6 = tpu.vector_load %arg6[%swap3A] {strides = array<i32>} : memref<80xf32, #tpu.memory_space<vmem>>, vector<16xf32>,
    %swap3A_7 = vector.shape_cast %swap3A_6 : vector<16xf32> to vector<16xf32>
    %swap3A_8 = vector.shape_cast %broadcast_in_dim3A_5 : vector<16xf32> to vector<16xf32>
    tpu.vector_store %arg6[%swap3A], %swap3A_8 {strides = array<i32>} : memref<80xf32, #tpu.memory_space<vmem>>, vector<16xf32>,
    %broadcast_in_dim3A_9 = arith.constant 1.000000e+00 : f32
    %broadcast_in_dim3A_10 = vector.broadcast %broadcast_in_dim3A_9 : f32 to vector<16xf32>
    %swap3A_11 = arith.constant 16 : index
    %swap3A_12 = tpu.vector_load %arg6[%swap3A_11] {strides = array<i32>} : memref<80xf32, #tpu.memory_space<vmem>>, vector<16xf32>,
    %swap3A_13 = vector.shape_cast %swap3A_12 : vector<16xf32> to vector<16xf32>
    %swap3A_14 = vector.shape_cast %broadcast_in_dim3A_10 : vector<16xf32> to vector<16xf32>
    tpu.vector_store %arg6[%swap3A_11], %swap3A_14 {strides = array<i32>} : memref<80xf32, #tpu.memory_space<vmem>>, vector<16xf32>,
    %broadcast_in_dim3A_15 = arith.constant 1.000000e+00 : f32
    %broadcast_in_dim3A_16 = vector.broadcast %broadcast_in_dim3A_15 : f32 to vector<16xf32>
    %swap3A_17 = arith.constant 32 : index
    %swap3A_18 = tpu.vector_load %arg6[%swap3A_17] {strides = array<i32>} : memref<80xf32, #tpu.memory_space<vmem>>, vector<16xf32>,
    %swap3A_19 = vector.shape_cast %swap3A_18 : vector<16xf32> to vector<16xf32>
    %swap3A_20 = vector.shape_cast %broadcast_in_dim3A_16 : vector<16xf32> to vector<16xf32>
    tpu.vector_store %arg6[%swap3A_17], %swap3A_20 {strides = array<i32>} : memref<80xf32, #tpu.memory_space<vmem>>, vector<16xf32>,
    %broadcast_in_dim3A_21 = arith.constant 1.000000e+00 : f32
    %broadcast_in_dim3A_22 = vector.broadcast %broadcast_in_dim3A_21 : f32 to vector<16xf32>
    %swap3A_23 = arith.constant 48 : index
    %swap3A_24 = tpu.vector_load %arg6[%swap3A_23] {strides = array<i32>} : memref<80xf32, #tpu.memory_space<vmem>>, vector<16xf32>,
    %swap3A_25 = vector.shape_cast %swap3A_24 : vector<16xf32> to vector<16xf32>
    %swap3A_26 = vector.shape_cast %broadcast_in_dim3A_22 : vector<16xf32> to vector<16xf32>
    tpu.vector_store %arg6[%swap3A_23], %swap3A_26 {strides = array<i32>} : memref<80xf32, #tpu.memory_space<vmem>>, vector<16xf32>,
    %broadcast_in_dim3A_27 = arith.constant 1.000000e+00 : f32
    %broadcast_in_dim3A_28 = vector.broadcast %broadcast_in_dim3A_27 : f32 to vector<16xf32>
    %swap3A_29 = arith.constant 64 : index
    %swap3A_30 = tpu.vector_load %arg6[%swap3A_29] {strides = array<i32>} : memref<80xf32, #tpu.memory_space<vmem>>, vector<16xf32>,
    %swap3A_31 = vector.shape_cast %swap3A_30 : vector<16xf32> to vector<16xf32>
    %swap3A_32 = vector.shape_cast %broadcast_in_dim3A_28 : vector<16xf32> to vector<16xf32>
    tpu.vector_store %arg6[%swap3A_29], %swap3A_32 {strides = array<i32>} : memref<80xf32, #tpu.memory_space<vmem>>, vector<16xf32>,
    "tpu.region"() ({
      %run_scoped3A = tpu.sem_alloc : memref<!tpu.dma_semaphore, #tpu.memory_space<semaphore_mem>>
      %dma_start3A = arith.constant 0 : i32
      %dma_start3A_66 = arith.constant 0 : i32
      %dma_start3A_67 = tpu.memref_slice %arg2[%add3A, %dma_start3A, %dma_start3A_66] : memref<32x125x80xi32, #tpu.memory_space<hbm>> -> memref<1x125x80xi32, #tpu.memory_space<hbm>>
      %dma_start3A_68 = tpu.memref_squeeze %dma_start3A_67 : memref<1x125x80xi32, #tpu.memory_space<hbm>> -> memref<125x80xi32, #tpu.memory_space<hbm>>
      %dma_start3A_69 = arith.constant 0 : i32
      %dma_start3A_70 = arith.constant 0 : i32
      %dma_start3A_71 = tpu.memref_slice %arg2[%add3A, %dma_start3A_69, %dma_start3A_70] : memref<32x125x80xi32, #tpu.memory_space<hbm>> -> memref<1x125x80xi32, #tpu.memory_space<hbm>>
      %dma_start3A_72 = tpu.memref_squeeze %dma_start3A_71 : memref<1x125x80xi32, #tpu.memory_space<hbm>> -> memref<125x80xi32, #tpu.memory_space<hbm>>
      tpu.enqueue_dma source(%dma_start3A_72 : memref<125x80xi32, #tpu.memory_space<hbm>>) target(%arg5 : memref<125x80xi32, #tpu.memory_space<vmem>>) target_semaphore(%run_scoped3A : memref<!tpu.dma_semaphore, #tpu.memory_space<semaphore_mem>>)
      %dma_wait3A_73 = arith.constant 0 : i32
      %dma_wait3A_74 = arith.constant 0 : i32
      %dma_wait3A_75 = tpu.memref_slice %arg2[%add3A, %dma_wait3A_73, %dma_wait3A_74] : memref<32x125x80xi32, #tpu.memory_space<hbm>> -> memref<1x125x80xi32, #tpu.memory_space<hbm>>
      %dma_wait3A_76 = tpu.memref_squeeze %dma_wait3A_75 : memref<1x125x80xi32, #tpu.memory_space<hbm>> -> memref<125x80xi32, #tpu.memory_space<hbm>>
      %dma_wait3A_77 = arith.constant 0 : i32
      %dma_wait3A_78 = arith.constant 0 : i32
      %dma_wait3A_79 = tpu.memref_slice %arg2[%add3A, %dma_wait3A_77, %dma_wait3A_78] : memref<32x125x80xi32, #tpu.memory_space<hbm>> -> memref<1x125x80xi32, #tpu.memory_space<hbm>>
      %dma_wait3A_80 = tpu.memref_squeeze %dma_wait3A_79 : memref<1x125x80xi32, #tpu.memory_space<hbm>> -> memref<125x80xi32, #tpu.memory_space<hbm>>
      tpu.wait_dma2 semaphore(%run_scoped3A : memref<!tpu.dma_semaphore, #tpu.memory_space<semaphore_mem>>) src(%dma_wait3A_80 : memref<125x80xi32, #tpu.memory_space<hbm>>) dst(%arg5 : memref<125x80xi32, #tpu.memory_space<vmem>>)
      tpu.yield
    }) : () -> ()
    %barrier3A = arith.constant 0 : index
    tpu.barrier barrier_id(%barrier3A)
    %scan3A = arith.constant 0 : i32
    %scan3A_33 = arith.constant 0 : i32
    %scan3A_34 = arith.constant 125 : i32
    %scan3A_35 = arith.addi %scan3A_33, %scan3A_34 : i32
    %scan3A_36 = arith.constant 1 : i32
    scf.for %scan3A_66 = %scan3A_33 to %scan3A_35 step %scan3A_36  : i32 {
      %dma_start3A = arith.constant 0 : i32
      %dma_start3A_67 = tpu.memref_slice %arg5[%scan3A_66, %dma_start3A] : memref<125x80xi32, #tpu.memory_space<vmem>> -> memref<1x80xi32, #tpu.memory_space<vmem>>
      %dma_start3A_68 = tpu.memref_squeeze %dma_start3A_67 : memref<1x80xi32, #tpu.memory_space<vmem>> -> memref<80xi32, #tpu.memory_space<vmem>>
      %dma_start3A_69 = arith.constant 0 : i32
      %dma_start3A_70 = tpu.memref_slice %arg7[%dma_start3A_69] : memref<10240xf32, #tpu.memory_space<vmem_shared>> -> memref<10240xf32, #tpu.memory_space<vmem_shared>>
      tpu.enqueue_indirect_dma source(%arg6 : memref<80xf32, #tpu.memory_space<vmem>>) target(%dma_start3A_70 : memref<10240xf32, #tpu.memory_space<vmem_shared>>) offsets(%dma_start3A_68 : memref<80xi32, #tpu.memory_space<vmem>>) semaphore(%arg8 : memref<!tpu.dma_semaphore, #tpu.memory_space<semaphore_mem>>) {add = true}
      %ge3A = arith.constant 4 : i32
      %ge3A_71 = arith.cmpi sge, %scan3A_66, %ge3A : i32
      %convert_element_type3A = arith.extui %ge3A_71 : i1 to i32
      %cond3A = arith.constant 0 : i32
      %cond3A_72 = arith.cmpi ne, %convert_element_type3A, %cond3A : i32
      scf.if %cond3A_72 {
        %dma_wait3A_73 = arith.constant 0 : i32
        %dma_wait3A_74 = arith.constant 0 : i32
        %dma_wait3A_75 = tpu.memref_slice %arg5[%dma_wait3A_73, %dma_wait3A_74] : memref<125x80xi32, #tpu.memory_space<vmem>> -> memref<1x80xi32, #tpu.memory_space<vmem>>
        %dma_wait3A_76 = tpu.memref_squeeze %dma_wait3A_75 : memref<1x80xi32, #tpu.memory_space<vmem>> -> memref<80xi32, #tpu.memory_space<vmem>>
        %dma_wait3A_77 = arith.constant 0 : i32
        %dma_wait3A_78 = tpu.memref_slice %arg7[%dma_wait3A_77] : memref<10240xf32, #tpu.memory_space<vmem_shared>> -> memref<10240xf32, #tpu.memory_space<vmem_shared>>
        tpu.wait_indirect_dma semaphore(%arg8 : memref<!tpu.dma_semaphore, #tpu.memory_space<semaphore_mem>>) src(%arg6 : memref<80xf32, #tpu.memory_space<vmem>>) dst(%dma_wait3A_78 : memref<10240xf32, #tpu.memory_space<vmem_shared>>)
      } else {
      }
    }
    %scan3A_37 = arith.constant 125 : i32
    %dma_wait3A = arith.constant 0 : i32
    %dma_wait3A_38 = arith.constant 0 : i32
    %dma_wait3A_39 = tpu.memref_slice %arg5[%dma_wait3A, %dma_wait3A_38] : memref<125x80xi32, #tpu.memory_space<vmem>> -> memref<1x80xi32, #tpu.memory_space<vmem>>
    %dma_wait3A_40 = tpu.memref_squeeze %dma_wait3A_39 : memref<1x80xi32, #tpu.memory_space<vmem>> -> memref<80xi32, #tpu.memory_space<vmem>>
    %dma_wait3A_41 = arith.constant 0 : i32
    %dma_wait3A_42 = tpu.memref_slice %arg7[%dma_wait3A_41] : memref<10240xf32, #tpu.memory_space<vmem_shared>> -> memref<10240xf32, #tpu.memory_space<vmem_shared>>
    tpu.wait_indirect_dma semaphore(%arg8 : memref<!tpu.dma_semaphore, #tpu.memory_space<semaphore_mem>>) src(%arg6 : memref<80xf32, #tpu.memory_space<vmem>>) dst(%dma_wait3A_42 : memref<10240xf32, #tpu.memory_space<vmem_shared>>)
    %dma_wait3A_43 = arith.constant 0 : i32
    %dma_wait3A_44 = arith.constant 0 : i32
    %dma_wait3A_45 = tpu.memref_slice %arg5[%dma_wait3A_43, %dma_wait3A_44] : memref<125x80xi32, #tpu.memory_space<vmem>> -> memref<1x80xi32, #tpu.memory_space<vmem>>
    %dma_wait3A_46 = tpu.memref_squeeze %dma_wait3A_45 : memref<1x80xi32, #tpu.memory_space<vmem>> -> memref<80xi32, #tpu.memory_space<vmem>>
    %dma_wait3A_47 = arith.constant 0 : i32
    %dma_wait3A_48 = tpu.memref_slice %arg7[%dma_wait3A_47] : memref<10240xf32, #tpu.memory_space<vmem_shared>> -> memref<10240xf32, #tpu.memory_space<vmem_shared>>
    tpu.wait_indirect_dma semaphore(%arg8 : memref<!tpu.dma_semaphore, #tpu.memory_space<semaphore_mem>>) src(%arg6 : memref<80xf32, #tpu.memory_space<vmem>>) dst(%dma_wait3A_48 : memref<10240xf32, #tpu.memory_space<vmem_shared>>)
    %dma_wait3A_49 = arith.constant 0 : i32
    %dma_wait3A_50 = arith.constant 0 : i32
    %dma_wait3A_51 = tpu.memref_slice %arg5[%dma_wait3A_49, %dma_wait3A_50] : memref<125x80xi32, #tpu.memory_space<vmem>> -> memref<1x80xi32, #tpu.memory_space<vmem>>
    %dma_wait3A_52 = tpu.memref_squeeze %dma_wait3A_51 : memref<1x80xi32, #tpu.memory_space<vmem>> -> memref<80xi32, #tpu.memory_space<vmem>>
    %dma_wait3A_53 = arith.constant 0 : i32
    %dma_wait3A_54 = tpu.memref_slice %arg7[%dma_wait3A_53] : memref<10240xf32, #tpu.memory_space<vmem_shared>> -> memref<10240xf32, #tpu.memory_space<vmem_shared>>
    tpu.wait_indirect_dma semaphore(%arg8 : memref<!tpu.dma_semaphore, #tpu.memory_space<semaphore_mem>>) src(%arg6 : memref<80xf32, #tpu.memory_space<vmem>>) dst(%dma_wait3A_54 : memref<10240xf32, #tpu.memory_space<vmem_shared>>)
    %dma_wait3A_55 = arith.constant 0 : i32
    %dma_wait3A_56 = arith.constant 0 : i32
    %dma_wait3A_57 = tpu.memref_slice %arg5[%dma_wait3A_55, %dma_wait3A_56] : memref<125x80xi32, #tpu.memory_space<vmem>> -> memref<1x80xi32, #tpu.memory_space<vmem>>
    %dma_wait3A_58 = tpu.memref_squeeze %dma_wait3A_57 : memref<1x80xi32, #tpu.memory_space<vmem>> -> memref<80xi32, #tpu.memory_space<vmem>>
    %dma_wait3A_59 = arith.constant 0 : i32
    %dma_wait3A_60 = tpu.memref_slice %arg7[%dma_wait3A_59] : memref<10240xf32, #tpu.memory_space<vmem_shared>> -> memref<10240xf32, #tpu.memory_space<vmem_shared>>
    tpu.wait_indirect_dma semaphore(%arg8 : memref<!tpu.dma_semaphore, #tpu.memory_space<semaphore_mem>>) src(%arg6 : memref<80xf32, #tpu.memory_space<vmem>>) dst(%dma_wait3A_60 : memref<10240xf32, #tpu.memory_space<vmem_shared>>)
    %barrier3A_61 = arith.constant 0 : index
    tpu.barrier barrier_id(%barrier3A_61)
    %mul3A_62 = arith.constant 640 : i32
    %mul3A_63 = arith.muli %arg1, %mul3A_62 : i32
    %mul3A_64 = arith.constant 640 : i32
    %mul3A_65 = arith.muli %arg1, %mul3A_64 : i32
    "tpu.region"() ({
      %run_scoped3A = tpu.sem_alloc : memref<!tpu.dma_semaphore, #tpu.memory_space<semaphore_mem>>
      %dma_start3A = tpu.memref_slice %arg4[%arg0, %mul3A_65] : memref<2x10240xf32, #tpu.memory_space<hbm>> -> memref<1x640xf32, #tpu.memory_space<hbm>>
      %dma_start3A_66 = tpu.memref_squeeze %dma_start3A : memref<1x640xf32, #tpu.memory_space<hbm>> -> memref<640xf32, #tpu.memory_space<hbm>>
      %dma_start3A_67 = tpu.memref_slice %arg7[%mul3A_63] : memref<10240xf32, #tpu.memory_space<vmem_shared>> -> memref<640xf32, #tpu.memory_space<vmem_shared>>
      tpu.enqueue_dma source(%dma_start3A_67 : memref<640xf32, #tpu.memory_space<vmem_shared>>) target(%dma_start3A_66 : memref<640xf32, #tpu.memory_space<hbm>>) target_semaphore(%run_scoped3A : memref<!tpu.dma_semaphore, #tpu.memory_space<semaphore_mem>>)
      %dma_wait3A_68 = tpu.memref_slice %arg4[%arg0, %mul3A_65] : memref<2x10240xf32, #tpu.memory_space<hbm>> -> memref<1x640xf32, #tpu.memory_space<hbm>>
      %dma_wait3A_69 = tpu.memref_squeeze %dma_wait3A_68 : memref<1x640xf32, #tpu.memory_space<hbm>> -> memref<640xf32, #tpu.memory_space<hbm>>
      %dma_wait3A_70 = tpu.memref_slice %arg7[%mul3A_63] : memref<10240xf32, #tpu.memory_space<vmem_shared>> -> memref<640xf32, #tpu.memory_space<vmem_shared>>
      tpu.wait_dma2 semaphore(%run_scoped3A : memref<!tpu.dma_semaphore, #tpu.memory_space<semaphore_mem>>) src(%dma_wait3A_70 : memref<640xf32, #tpu.memory_space<vmem_shared>>) dst(%dma_wait3A_69 : memref<640xf32, #tpu.memory_space<hbm>>)
      tpu.yield
    }) : () -> ()
    return
  }
}

#map = affine_map<(d0, d1) -> (0, 0)>
#map1 = affine_map<(d0, d1) -> (0)>
#map2 = affine_map<(d0, d1) -> (0, 0, 0)>
module attributes {stable_mosaic.version = 14 : i64} {
  func.func @agg_kernel(%arg0: i32, %arg1: i32, %arg2: memref<10000x128xf32, #tpu.memory_space<hbm>>, %arg3: memref<321024xi32, #tpu.memory_space<hbm>>, %arg4: memref<32x114x88xi32, #tpu.memory_space<hbm>>, %arg5: memref<10112x128xf32, #tpu.memory_space<hbm>>, %arg6: memref<2x10112x128xf32, #tpu.memory_space<hbm>>, %arg7: memref<114x88xi32, #tpu.memory_space<vmem>>, %arg8: memref<88xi32, #tpu.memory_space<vmem>>, %arg9: memref<88xi32, #tpu.memory_space<vmem>>, %arg10: memref<88xi32, #tpu.memory_space<vmem>>, %arg11: memref<88x128xf32, #tpu.memory_space<vmem>>, %arg12: memref<88x128xf32, #tpu.memory_space<vmem>>, %arg13: memref<88x128xf32, #tpu.memory_space<vmem>>, %arg14: memref<10112x128xf32, #tpu.memory_space<vmem_shared>>, %arg15: memref<!tpu.dma_semaphore, #tpu.memory_space<semaphore_mem>>, %arg16: memref<!tpu.dma_semaphore, #tpu.memory_space<semaphore_mem>>, %arg17: memref<!tpu.dma_semaphore, #tpu.memory_space<semaphore_mem>>, %arg18: memref<!tpu.dma_semaphore, #tpu.memory_space<semaphore_mem>>, %arg19: memref<!tpu.dma_semaphore, #tpu.memory_space<semaphore_mem>>, %arg20: memref<!tpu.dma_semaphore, #tpu.memory_space<semaphore_mem>>) attributes {dimension_semantics = [#tpu.dimension_semantics<core_parallel>, #tpu.dimension_semantics<subcore_parallel>], iteration_bounds = array<i64: 2, 16>, scalar_prefetch = 0 : i64, scratch_operands = 14 : i64, tpu.core_type = #tpu.core_type<sc_vector_subcore>, window_params = [{transform_indices = #map}, {transform_indices = #map1}, {transform_indices = #map2}, {transform_indices = #map}, {transform_indices = #map2}]} {
    %mul3A = arith.constant 2 : i32
    %mul3A_0 = arith.muli %arg1, %mul3A : i32
    %add3A = arith.addi %mul3A_0, %arg0 : i32
    %mul3A_1 = arith.constant 10032 : i32
    %mul3A_2 = arith.muli %add3A, %mul3A_1 : i32
    %mul3A_3 = arith.constant 632 : i32
    %mul3A_4 = arith.muli %arg1, %mul3A_3 : i32
    %mul3A_5 = arith.constant 632 : i32
    %mul3A_6 = arith.muli %arg1, %mul3A_5 : i32
    "tpu.region"() ({
      %run_scoped3A = tpu.sem_alloc : memref<!tpu.dma_semaphore, #tpu.memory_space<semaphore_mem>>
      %dma_start3A_42 = arith.constant 0 : i32
      %dma_start3A_43 = tpu.memref_slice %arg14[%mul3A_6, %dma_start3A_42] : memref<10112x128xf32, #tpu.memory_space<vmem_shared>> -> memref<632x128xf32, #tpu.memory_space<vmem_shared>>
      %dma_start3A_44 = arith.constant 0 : i32
      %dma_start3A_45 = tpu.memref_slice %arg5[%mul3A_4, %dma_start3A_44] : memref<10112x128xf32, #tpu.memory_space<hbm>> -> memref<632x128xf32, #tpu.memory_space<hbm>>
      tpu.enqueue_dma source(%dma_start3A_45 : memref<632x128xf32, #tpu.memory_space<hbm>>) target(%dma_start3A_43 : memref<632x128xf32, #tpu.memory_space<vmem_shared>>) target_semaphore(%run_scoped3A : memref<!tpu.dma_semaphore, #tpu.memory_space<semaphore_mem>>)
      %dma_wait3A_46 = arith.constant 0 : i32
      %dma_wait3A_47 = tpu.memref_slice %arg14[%mul3A_6, %dma_wait3A_46] : memref<10112x128xf32, #tpu.memory_space<vmem_shared>> -> memref<632x128xf32, #tpu.memory_space<vmem_shared>>
      %dma_wait3A_48 = arith.constant 0 : i32
      %dma_wait3A_49 = tpu.memref_slice %arg5[%mul3A_4, %dma_wait3A_48] : memref<10112x128xf32, #tpu.memory_space<hbm>> -> memref<632x128xf32, #tpu.memory_space<hbm>>
      tpu.wait_dma2 semaphore(%run_scoped3A : memref<!tpu.dma_semaphore, #tpu.memory_space<semaphore_mem>>) src(%dma_wait3A_49 : memref<632x128xf32, #tpu.memory_space<hbm>>) dst(%dma_wait3A_47 : memref<632x128xf32, #tpu.memory_space<vmem_shared>>)
      tpu.yield
    }) : () -> ()
    "tpu.region"() ({
      %run_scoped3A = tpu.sem_alloc : memref<!tpu.dma_semaphore, #tpu.memory_space<semaphore_mem>>
      %dma_start3A_42 = arith.constant 0 : i32
      %dma_start3A_43 = arith.constant 0 : i32
      %dma_start3A_44 = tpu.memref_slice %arg4[%add3A, %dma_start3A_42, %dma_start3A_43] : memref<32x114x88xi32, #tpu.memory_space<hbm>> -> memref<1x114x88xi32, #tpu.memory_space<hbm>>
      %dma_start3A_45 = tpu.memref_squeeze %dma_start3A_44 : memref<1x114x88xi32, #tpu.memory_space<hbm>> -> memref<114x88xi32, #tpu.memory_space<hbm>>
      %dma_start3A_46 = arith.constant 0 : i32
      %dma_start3A_47 = arith.constant 0 : i32
      %dma_start3A_48 = tpu.memref_slice %arg4[%add3A, %dma_start3A_46, %dma_start3A_47] : memref<32x114x88xi32, #tpu.memory_space<hbm>> -> memref<1x114x88xi32, #tpu.memory_space<hbm>>
      %dma_start3A_49 = tpu.memref_squeeze %dma_start3A_48 : memref<1x114x88xi32, #tpu.memory_space<hbm>> -> memref<114x88xi32, #tpu.memory_space<hbm>>
      tpu.enqueue_dma source(%dma_start3A_49 : memref<114x88xi32, #tpu.memory_space<hbm>>) target(%arg7 : memref<114x88xi32, #tpu.memory_space<vmem>>) target_semaphore(%run_scoped3A : memref<!tpu.dma_semaphore, #tpu.memory_space<semaphore_mem>>)
      %dma_wait3A_50 = arith.constant 0 : i32
      %dma_wait3A_51 = arith.constant 0 : i32
      %dma_wait3A_52 = tpu.memref_slice %arg4[%add3A, %dma_wait3A_50, %dma_wait3A_51] : memref<32x114x88xi32, #tpu.memory_space<hbm>> -> memref<1x114x88xi32, #tpu.memory_space<hbm>>
      %dma_wait3A_53 = tpu.memref_squeeze %dma_wait3A_52 : memref<1x114x88xi32, #tpu.memory_space<hbm>> -> memref<114x88xi32, #tpu.memory_space<hbm>>
      %dma_wait3A_54 = arith.constant 0 : i32
      %dma_wait3A_55 = arith.constant 0 : i32
      %dma_wait3A_56 = tpu.memref_slice %arg4[%add3A, %dma_wait3A_54, %dma_wait3A_55] : memref<32x114x88xi32, #tpu.memory_space<hbm>> -> memref<1x114x88xi32, #tpu.memory_space<hbm>>
      %dma_wait3A_57 = tpu.memref_squeeze %dma_wait3A_56 : memref<1x114x88xi32, #tpu.memory_space<hbm>> -> memref<114x88xi32, #tpu.memory_space<hbm>>
      tpu.wait_dma2 semaphore(%run_scoped3A : memref<!tpu.dma_semaphore, #tpu.memory_space<semaphore_mem>>) src(%dma_wait3A_57 : memref<114x88xi32, #tpu.memory_space<hbm>>) dst(%arg7 : memref<114x88xi32, #tpu.memory_space<vmem>>)
      tpu.yield
    }) : () -> ()
    %barrier3A = arith.constant 0 : index
    tpu.barrier barrier_id(%barrier3A)
    %add3A_7 = arith.constant 0 : i32
    %add3A_8 = arith.addi %mul3A_2, %add3A_7 : i32
    %dma_start3A = tpu.memref_slice %arg3[%add3A_8] : memref<321024xi32, #tpu.memory_space<hbm>> -> memref<88xi32, #tpu.memory_space<hbm>>
    %dma_start3A_9 = tpu.memref_slice %arg3[%add3A_8] : memref<321024xi32, #tpu.memory_space<hbm>> -> memref<88xi32, #tpu.memory_space<hbm>>
    tpu.enqueue_dma source(%dma_start3A_9 : memref<88xi32, #tpu.memory_space<hbm>>) target(%arg8 : memref<88xi32, #tpu.memory_space<vmem>>) target_semaphore(%arg18 : memref<!tpu.dma_semaphore, #tpu.memory_space<semaphore_mem>>)
    %add3A_10 = arith.constant 88 : i32
    %add3A_11 = arith.addi %mul3A_2, %add3A_10 : i32
    %dma_start3A_12 = tpu.memref_slice %arg3[%add3A_11] : memref<321024xi32, #tpu.memory_space<hbm>> -> memref<88xi32, #tpu.memory_space<hbm>>
    %dma_start3A_13 = tpu.memref_slice %arg3[%add3A_11] : memref<321024xi32, #tpu.memory_space<hbm>> -> memref<88xi32, #tpu.memory_space<hbm>>
    tpu.enqueue_dma source(%dma_start3A_13 : memref<88xi32, #tpu.memory_space<hbm>>) target(%arg9 : memref<88xi32, #tpu.memory_space<vmem>>) target_semaphore(%arg19 : memref<!tpu.dma_semaphore, #tpu.memory_space<semaphore_mem>>)
    %add3A_14 = arith.constant 176 : i32
    %add3A_15 = arith.addi %mul3A_2, %add3A_14 : i32
    %dma_start3A_16 = tpu.memref_slice %arg3[%add3A_15] : memref<321024xi32, #tpu.memory_space<hbm>> -> memref<88xi32, #tpu.memory_space<hbm>>
    %dma_start3A_17 = tpu.memref_slice %arg3[%add3A_15] : memref<321024xi32, #tpu.memory_space<hbm>> -> memref<88xi32, #tpu.memory_space<hbm>>
    tpu.enqueue_dma source(%dma_start3A_17 : memref<88xi32, #tpu.memory_space<hbm>>) target(%arg10 : memref<88xi32, #tpu.memory_space<vmem>>) target_semaphore(%arg20 : memref<!tpu.dma_semaphore, #tpu.memory_space<semaphore_mem>>)
    %dma_wait3A = tpu.memref_slice %arg3[%mul3A_2] : memref<321024xi32, #tpu.memory_space<hbm>> -> memref<88xi32, #tpu.memory_space<hbm>>
    %dma_wait3A_18 = tpu.memref_slice %arg3[%mul3A_2] : memref<321024xi32, #tpu.memory_space<hbm>> -> memref<88xi32, #tpu.memory_space<hbm>>
    tpu.wait_dma2 semaphore(%arg18 : memref<!tpu.dma_semaphore, #tpu.memory_space<semaphore_mem>>) src(%dma_wait3A_18 : memref<88xi32, #tpu.memory_space<hbm>>) dst(%arg8 : memref<88xi32, #tpu.memory_space<vmem>>)
    %dma_start3A_19 = arith.constant 0 : i32
    %dma_start3A_20 = arith.constant 0 : i32
    %dma_start3A_21 = tpu.memref_slice %arg2[%dma_start3A_19, %dma_start3A_20] : memref<10000x128xf32, #tpu.memory_space<hbm>> -> memref<10000x128xf32, #tpu.memory_space<hbm>>
    tpu.enqueue_indirect_dma source(%dma_start3A_21 : memref<10000x128xf32, #tpu.memory_space<hbm>>) target(%arg11 : memref<88x128xf32, #tpu.memory_space<vmem>>) offsets(%arg8 : memref<88xi32, #tpu.memory_space<vmem>>) semaphore(%arg15 : memref<!tpu.dma_semaphore, #tpu.memory_space<semaphore_mem>>)
    %dma_wait3A_22 = tpu.memref_slice %arg3[%mul3A_2] : memref<321024xi32, #tpu.memory_space<hbm>> -> memref<88xi32, #tpu.memory_space<hbm>>
    %dma_wait3A_23 = tpu.memref_slice %arg3[%mul3A_2] : memref<321024xi32, #tpu.memory_space<hbm>> -> memref<88xi32, #tpu.memory_space<hbm>>
    tpu.wait_dma2 semaphore(%arg19 : memref<!tpu.dma_semaphore, #tpu.memory_space<semaphore_mem>>) src(%dma_wait3A_23 : memref<88xi32, #tpu.memory_space<hbm>>) dst(%arg9 : memref<88xi32, #tpu.memory_space<vmem>>)
    %dma_start3A_24 = arith.constant 0 : i32
    %dma_start3A_25 = arith.constant 0 : i32
    %dma_start3A_26 = tpu.memref_slice %arg2[%dma_start3A_24, %dma_start3A_25] : memref<10000x128xf32, #tpu.memory_space<hbm>> -> memref<10000x128xf32, #tpu.memory_space<hbm>>
    tpu.enqueue_indirect_dma source(%dma_start3A_26 : memref<10000x128xf32, #tpu.memory_space<hbm>>) target(%arg12 : memref<88x128xf32, #tpu.memory_space<vmem>>) offsets(%arg9 : memref<88xi32, #tpu.memory_space<vmem>>) semaphore(%arg16 : memref<!tpu.dma_semaphore, #tpu.memory_space<semaphore_mem>>)
    %dma_wait3A_27 = tpu.memref_slice %arg3[%mul3A_2] : memref<321024xi32, #tpu.memory_space<hbm>> -> memref<88xi32, #tpu.memory_space<hbm>>
    %dma_wait3A_28 = tpu.memref_slice %arg3[%mul3A_2] : memref<321024xi32, #tpu.memory_space<hbm>> -> memref<88xi32, #tpu.memory_space<hbm>>
    tpu.wait_dma2 semaphore(%arg20 : memref<!tpu.dma_semaphore, #tpu.memory_space<semaphore_mem>>) src(%dma_wait3A_28 : memref<88xi32, #tpu.memory_space<hbm>>) dst(%arg10 : memref<88xi32, #tpu.memory_space<vmem>>)
    %dma_start3A_29 = arith.constant 0 : i32
    %dma_start3A_30 = arith.constant 0 : i32
    %dma_start3A_31 = tpu.memref_slice %arg2[%dma_start3A_29, %dma_start3A_30] : memref<10000x128xf32, #tpu.memory_space<hbm>> -> memref<10000x128xf32, #tpu.memory_space<hbm>>
    tpu.enqueue_indirect_dma source(%dma_start3A_31 : memref<10000x128xf32, #tpu.memory_space<hbm>>) target(%arg13 : memref<88x128xf32, #tpu.memory_space<vmem>>) offsets(%arg10 : memref<88xi32, #tpu.memory_space<vmem>>) semaphore(%arg17 : memref<!tpu.dma_semaphore, #tpu.memory_space<semaphore_mem>>)
    %scan3A = arith.constant 0 : i32
    %scan3A_32 = arith.constant 0 : i32
    %scan3A_33 = arith.constant 38 : i32
    %scan3A_34 = arith.addi %scan3A_32, %scan3A_33 : i32
    %scan3A_35 = arith.constant 1 : i32
    scf.for %scan3A_42 = %scan3A_32 to %scan3A_34 step %scan3A_35  : i32 {
      %mul3A_43 = arith.constant 3 : i32
      %mul3A_44 = arith.muli %mul3A_43, %scan3A_42 : i32
      %dma_wait3A_45 = arith.constant 0 : i32
      %dma_wait3A_46 = arith.constant 0 : i32
      %dma_wait3A_47 = tpu.memref_slice %arg2[%dma_wait3A_45, %dma_wait3A_46] : memref<10000x128xf32, #tpu.memory_space<hbm>> -> memref<10000x128xf32, #tpu.memory_space<hbm>>
      tpu.wait_indirect_dma semaphore(%arg15 : memref<!tpu.dma_semaphore, #tpu.memory_space<semaphore_mem>>) src(%dma_wait3A_47 : memref<10000x128xf32, #tpu.memory_space<hbm>>) dst(%arg11 : memref<88x128xf32, #tpu.memory_space<vmem>>)
      %add3A_48 = arith.constant 3 : i32
      %add3A_49 = arith.addi %mul3A_44, %add3A_48 : i32
      %lt3A = arith.constant 114 : i32
      %lt3A_50 = arith.cmpi slt, %add3A_49, %lt3A : i32
      %convert_element_type3A = arith.extui %lt3A_50 : i1 to i32
      %cond3A = arith.constant 0 : i32
      %cond3A_51 = arith.cmpi ne, %convert_element_type3A, %cond3A : i32
      scf.if %cond3A_51 {
        %add3A_97 = arith.constant 3 : i32
        %add3A_98 = arith.addi %mul3A_44, %add3A_97 : i32
        %mul3A_99 = arith.constant 88 : i32
        %mul3A_100 = arith.muli %add3A_98, %mul3A_99 : i32
        %add3A_101 = arith.addi %mul3A_2, %mul3A_100 : i32
        %dma_start3A_102 = tpu.memref_slice %arg3[%add3A_101] : memref<321024xi32, #tpu.memory_space<hbm>> -> memref<88xi32, #tpu.memory_space<hbm>>
        %dma_start3A_103 = tpu.memref_slice %arg3[%add3A_101] : memref<321024xi32, #tpu.memory_space<hbm>> -> memref<88xi32, #tpu.memory_space<hbm>>
        tpu.enqueue_dma source(%dma_start3A_103 : memref<88xi32, #tpu.memory_space<hbm>>) target(%arg8 : memref<88xi32, #tpu.memory_space<vmem>>) target_semaphore(%arg18 : memref<!tpu.dma_semaphore, #tpu.memory_space<semaphore_mem>>)
      } else {
      }
      "tpu.region"() ({
        %run_scoped3A = tpu.sem_alloc : memref<!tpu.dma_semaphore, #tpu.memory_space<semaphore_mem>>
        %dma_start3A_97 = arith.constant 0 : i32
        %dma_start3A_98 = tpu.memref_slice %arg7[%mul3A_44, %dma_start3A_97] : memref<114x88xi32, #tpu.memory_space<vmem>> -> memref<1x88xi32, #tpu.memory_space<vmem>>
        %dma_start3A_99 = tpu.memref_squeeze %dma_start3A_98 : memref<1x88xi32, #tpu.memory_space<vmem>> -> memref<88xi32, #tpu.memory_space<vmem>>
        %dma_start3A_100 = arith.constant 0 : i32
        %dma_start3A_101 = arith.constant 0 : i32
        %dma_start3A_102 = tpu.memref_slice %arg14[%dma_start3A_100, %dma_start3A_101] : memref<10112x128xf32, #tpu.memory_space<vmem_shared>> -> memref<10112x128xf32, #tpu.memory_space<vmem_shared>>
        tpu.enqueue_indirect_dma source(%arg11 : memref<88x128xf32, #tpu.memory_space<vmem>>) target(%dma_start3A_102 : memref<10112x128xf32, #tpu.memory_space<vmem_shared>>) offsets(%dma_start3A_99 : memref<88xi32, #tpu.memory_space<vmem>>) semaphore(%run_scoped3A : memref<!tpu.dma_semaphore, #tpu.memory_space<semaphore_mem>>) {add = true}
        %dma_wait3A_103 = arith.constant 0 : i32
        %dma_wait3A_104 = tpu.memref_slice %arg7[%mul3A_44, %dma_wait3A_103] : memref<114x88xi32, #tpu.memory_space<vmem>> -> memref<1x88xi32, #tpu.memory_space<vmem>>
        %dma_wait3A_105 = tpu.memref_squeeze %dma_wait3A_104 : memref<1x88xi32, #tpu.memory_space<vmem>> -> memref<88xi32, #tpu.memory_space<vmem>>
        %dma_wait3A_106 = arith.constant 0 : i32
        %dma_wait3A_107 = arith.constant 0 : i32
        %dma_wait3A_108 = tpu.memref_slice %arg14[%dma_wait3A_106, %dma_wait3A_107] : memref<10112x128xf32, #tpu.memory_space<vmem_shared>> -> memref<10112x128xf32, #tpu.memory_space<vmem_shared>>
        tpu.wait_indirect_dma semaphore(%run_scoped3A : memref<!tpu.dma_semaphore, #tpu.memory_space<semaphore_mem>>) src(%arg11 : memref<88x128xf32, #tpu.memory_space<vmem>>) dst(%dma_wait3A_108 : memref<10112x128xf32, #tpu.memory_space<vmem_shared>>)
        tpu.yield
      }) : () -> ()
      %add3A_52 = arith.constant 3 : i32
      %add3A_53 = arith.addi %mul3A_44, %add3A_52 : i32
      %lt3A_54 = arith.constant 114 : i32
      %lt3A_55 = arith.cmpi slt, %add3A_53, %lt3A_54 : i32
      %convert_element_type3A_56 = arith.extui %lt3A_55 : i1 to i32
      %cond3A_57 = arith.constant 0 : i32
      %cond3A_58 = arith.cmpi ne, %convert_element_type3A_56, %cond3A_57 : i32
      scf.if %cond3A_58 {
        %dma_wait3A_97 = tpu.memref_slice %arg3[%mul3A_2] : memref<321024xi32, #tpu.memory_space<hbm>> -> memref<88xi32, #tpu.memory_space<hbm>>
        %dma_wait3A_98 = tpu.memref_slice %arg3[%mul3A_2] : memref<321024xi32, #tpu.memory_space<hbm>> -> memref<88xi32, #tpu.memory_space<hbm>>
        tpu.wait_dma2 semaphore(%arg18 : memref<!tpu.dma_semaphore, #tpu.memory_space<semaphore_mem>>) src(%dma_wait3A_98 : memref<88xi32, #tpu.memory_space<hbm>>) dst(%arg8 : memref<88xi32, #tpu.memory_space<vmem>>)
        %dma_start3A_99 = arith.constant 0 : i32
        %dma_start3A_100 = arith.constant 0 : i32
        %dma_start3A_101 = tpu.memref_slice %arg2[%dma_start3A_99, %dma_start3A_100] : memref<10000x128xf32, #tpu.memory_space<hbm>> -> memref<10000x128xf32, #tpu.memory_space<hbm>>
        tpu.enqueue_indirect_dma source(%dma_start3A_101 : memref<10000x128xf32, #tpu.memory_space<hbm>>) target(%arg11 : memref<88x128xf32, #tpu.memory_space<vmem>>) offsets(%arg8 : memref<88xi32, #tpu.memory_space<vmem>>) semaphore(%arg15 : memref<!tpu.dma_semaphore, #tpu.memory_space<semaphore_mem>>)
      } else {
      }
      %add3A_59 = arith.constant 1 : i32
      %add3A_60 = arith.addi %mul3A_44, %add3A_59 : i32
      %dma_wait3A_61 = arith.constant 0 : i32
      %dma_wait3A_62 = arith.constant 0 : i32
      %dma_wait3A_63 = tpu.memref_slice %arg2[%dma_wait3A_61, %dma_wait3A_62] : memref<10000x128xf32, #tpu.memory_space<hbm>> -> memref<10000x128xf32, #tpu.memory_space<hbm>>
      tpu.wait_indirect_dma semaphore(%arg16 : memref<!tpu.dma_semaphore, #tpu.memory_space<semaphore_mem>>) src(%dma_wait3A_63 : memref<10000x128xf32, #tpu.memory_space<hbm>>) dst(%arg12 : memref<88x128xf32, #tpu.memory_space<vmem>>)
      %add3A_64 = arith.constant 3 : i32
      %add3A_65 = arith.addi %add3A_60, %add3A_64 : i32
      %lt3A_66 = arith.constant 114 : i32
      %lt3A_67 = arith.cmpi slt, %add3A_65, %lt3A_66 : i32
      %convert_element_type3A_68 = arith.extui %lt3A_67 : i1 to i32
      %cond3A_69 = arith.constant 0 : i32
      %cond3A_70 = arith.cmpi ne, %convert_element_type3A_68, %cond3A_69 : i32
      scf.if %cond3A_70 {
        %add3A_97 = arith.constant 3 : i32
        %add3A_98 = arith.addi %add3A_60, %add3A_97 : i32
        %mul3A_99 = arith.constant 88 : i32
        %mul3A_100 = arith.muli %add3A_98, %mul3A_99 : i32
        %add3A_101 = arith.addi %mul3A_2, %mul3A_100 : i32
        %dma_start3A_102 = tpu.memref_slice %arg3[%add3A_101] : memref<321024xi32, #tpu.memory_space<hbm>> -> memref<88xi32, #tpu.memory_space<hbm>>
        %dma_start3A_103 = tpu.memref_slice %arg3[%add3A_101] : memref<321024xi32, #tpu.memory_space<hbm>> -> memref<88xi32, #tpu.memory_space<hbm>>
        tpu.enqueue_dma source(%dma_start3A_103 : memref<88xi32, #tpu.memory_space<hbm>>) target(%arg9 : memref<88xi32, #tpu.memory_space<vmem>>) target_semaphore(%arg19 : memref<!tpu.dma_semaphore, #tpu.memory_space<semaphore_mem>>)
      } else {
      }
      "tpu.region"() ({
        %run_scoped3A = tpu.sem_alloc : memref<!tpu.dma_semaphore, #tpu.memory_space<semaphore_mem>>
        %dma_start3A_97 = arith.constant 0 : i32
        %dma_start3A_98 = tpu.memref_slice %arg7[%add3A_60, %dma_start3A_97] : memref<114x88xi32, #tpu.memory_space<vmem>> -> memref<1x88xi32, #tpu.memory_space<vmem>>
        %dma_start3A_99 = tpu.memref_squeeze %dma_start3A_98 : memref<1x88xi32, #tpu.memory_space<vmem>> -> memref<88xi32, #tpu.memory_space<vmem>>
        %dma_start3A_100 = arith.constant 0 : i32
        %dma_start3A_101 = arith.constant 0 : i32
        %dma_start3A_102 = tpu.memref_slice %arg14[%dma_start3A_100, %dma_start3A_101] : memref<10112x128xf32, #tpu.memory_space<vmem_shared>> -> memref<10112x128xf32, #tpu.memory_space<vmem_shared>>
        tpu.enqueue_indirect_dma source(%arg12 : memref<88x128xf32, #tpu.memory_space<vmem>>) target(%dma_start3A_102 : memref<10112x128xf32, #tpu.memory_space<vmem_shared>>) offsets(%dma_start3A_99 : memref<88xi32, #tpu.memory_space<vmem>>) semaphore(%run_scoped3A : memref<!tpu.dma_semaphore, #tpu.memory_space<semaphore_mem>>) {add = true}
        %dma_wait3A_103 = arith.constant 0 : i32
        %dma_wait3A_104 = tpu.memref_slice %arg7[%add3A_60, %dma_wait3A_103] : memref<114x88xi32, #tpu.memory_space<vmem>> -> memref<1x88xi32, #tpu.memory_space<vmem>>
        %dma_wait3A_105 = tpu.memref_squeeze %dma_wait3A_104 : memref<1x88xi32, #tpu.memory_space<vmem>> -> memref<88xi32, #tpu.memory_space<vmem>>
        %dma_wait3A_106 = arith.constant 0 : i32
        %dma_wait3A_107 = arith.constant 0 : i32
        %dma_wait3A_108 = tpu.memref_slice %arg14[%dma_wait3A_106, %dma_wait3A_107] : memref<10112x128xf32, #tpu.memory_space<vmem_shared>> -> memref<10112x128xf32, #tpu.memory_space<vmem_shared>>
        tpu.wait_indirect_dma semaphore(%run_scoped3A : memref<!tpu.dma_semaphore, #tpu.memory_space<semaphore_mem>>) src(%arg12 : memref<88x128xf32, #tpu.memory_space<vmem>>) dst(%dma_wait3A_108 : memref<10112x128xf32, #tpu.memory_space<vmem_shared>>)
        tpu.yield
      }) : () -> ()
      %add3A_71 = arith.constant 3 : i32
      %add3A_72 = arith.addi %add3A_60, %add3A_71 : i32
      %lt3A_73 = arith.constant 114 : i32
      %lt3A_74 = arith.cmpi slt, %add3A_72, %lt3A_73 : i32
      %convert_element_type3A_75 = arith.extui %lt3A_74 : i1 to i32
      %cond3A_76 = arith.constant 0 : i32
      %cond3A_77 = arith.cmpi ne, %convert_element_type3A_75, %cond3A_76 : i32
      scf.if %cond3A_77 {
        %dma_wait3A_97 = tpu.memref_slice %arg3[%mul3A_2] : memref<321024xi32, #tpu.memory_space<hbm>> -> memref<88xi32, #tpu.memory_space<hbm>>
        %dma_wait3A_98 = tpu.memref_slice %arg3[%mul3A_2] : memref<321024xi32, #tpu.memory_space<hbm>> -> memref<88xi32, #tpu.memory_space<hbm>>
        tpu.wait_dma2 semaphore(%arg19 : memref<!tpu.dma_semaphore, #tpu.memory_space<semaphore_mem>>) src(%dma_wait3A_98 : memref<88xi32, #tpu.memory_space<hbm>>) dst(%arg9 : memref<88xi32, #tpu.memory_space<vmem>>)
        %dma_start3A_99 = arith.constant 0 : i32
        %dma_start3A_100 = arith.constant 0 : i32
        %dma_start3A_101 = tpu.memref_slice %arg2[%dma_start3A_99, %dma_start3A_100] : memref<10000x128xf32, #tpu.memory_space<hbm>> -> memref<10000x128xf32, #tpu.memory_space<hbm>>
        tpu.enqueue_indirect_dma source(%dma_start3A_101 : memref<10000x128xf32, #tpu.memory_space<hbm>>) target(%arg12 : memref<88x128xf32, #tpu.memory_space<vmem>>) offsets(%arg9 : memref<88xi32, #tpu.memory_space<vmem>>) semaphore(%arg16 : memref<!tpu.dma_semaphore, #tpu.memory_space<semaphore_mem>>)
      } else {
      }
      %add3A_78 = arith.constant 2 : i32
      %add3A_79 = arith.addi %mul3A_44, %add3A_78 : i32
      %dma_wait3A_80 = arith.constant 0 : i32
      %dma_wait3A_81 = arith.constant 0 : i32
      %dma_wait3A_82 = tpu.memref_slice %arg2[%dma_wait3A_80, %dma_wait3A_81] : memref<10000x128xf32, #tpu.memory_space<hbm>> -> memref<10000x128xf32, #tpu.memory_space<hbm>>
      tpu.wait_indirect_dma semaphore(%arg17 : memref<!tpu.dma_semaphore, #tpu.memory_space<semaphore_mem>>) src(%dma_wait3A_82 : memref<10000x128xf32, #tpu.memory_space<hbm>>) dst(%arg13 : memref<88x128xf32, #tpu.memory_space<vmem>>)
      %add3A_83 = arith.constant 3 : i32
      %add3A_84 = arith.addi %add3A_79, %add3A_83 : i32
      %lt3A_85 = arith.constant 114 : i32
      %lt3A_86 = arith.cmpi slt, %add3A_84, %lt3A_85 : i32
      %convert_element_type3A_87 = arith.extui %lt3A_86 : i1 to i32
      %cond3A_88 = arith.constant 0 : i32
      %cond3A_89 = arith.cmpi ne, %convert_element_type3A_87, %cond3A_88 : i32
      scf.if %cond3A_89 {
        %add3A_97 = arith.constant 3 : i32
        %add3A_98 = arith.addi %add3A_79, %add3A_97 : i32
        %mul3A_99 = arith.constant 88 : i32
        %mul3A_100 = arith.muli %add3A_98, %mul3A_99 : i32
        %add3A_101 = arith.addi %mul3A_2, %mul3A_100 : i32
        %dma_start3A_102 = tpu.memref_slice %arg3[%add3A_101] : memref<321024xi32, #tpu.memory_space<hbm>> -> memref<88xi32, #tpu.memory_space<hbm>>
        %dma_start3A_103 = tpu.memref_slice %arg3[%add3A_101] : memref<321024xi32, #tpu.memory_space<hbm>> -> memref<88xi32, #tpu.memory_space<hbm>>
        tpu.enqueue_dma source(%dma_start3A_103 : memref<88xi32, #tpu.memory_space<hbm>>) target(%arg10 : memref<88xi32, #tpu.memory_space<vmem>>) target_semaphore(%arg20 : memref<!tpu.dma_semaphore, #tpu.memory_space<semaphore_mem>>)
      } else {
      }
      "tpu.region"() ({
        %run_scoped3A = tpu.sem_alloc : memref<!tpu.dma_semaphore, #tpu.memory_space<semaphore_mem>>
        %dma_start3A_97 = arith.constant 0 : i32
        %dma_start3A_98 = tpu.memref_slice %arg7[%add3A_79, %dma_start3A_97] : memref<114x88xi32, #tpu.memory_space<vmem>> -> memref<1x88xi32, #tpu.memory_space<vmem>>
        %dma_start3A_99 = tpu.memref_squeeze %dma_start3A_98 : memref<1x88xi32, #tpu.memory_space<vmem>> -> memref<88xi32, #tpu.memory_space<vmem>>
        %dma_start3A_100 = arith.constant 0 : i32
        %dma_start3A_101 = arith.constant 0 : i32
        %dma_start3A_102 = tpu.memref_slice %arg14[%dma_start3A_100, %dma_start3A_101] : memref<10112x128xf32, #tpu.memory_space<vmem_shared>> -> memref<10112x128xf32, #tpu.memory_space<vmem_shared>>
        tpu.enqueue_indirect_dma source(%arg13 : memref<88x128xf32, #tpu.memory_space<vmem>>) target(%dma_start3A_102 : memref<10112x128xf32, #tpu.memory_space<vmem_shared>>) offsets(%dma_start3A_99 : memref<88xi32, #tpu.memory_space<vmem>>) semaphore(%run_scoped3A : memref<!tpu.dma_semaphore, #tpu.memory_space<semaphore_mem>>) {add = true}
        %dma_wait3A_103 = arith.constant 0 : i32
        %dma_wait3A_104 = tpu.memref_slice %arg7[%add3A_79, %dma_wait3A_103] : memref<114x88xi32, #tpu.memory_space<vmem>> -> memref<1x88xi32, #tpu.memory_space<vmem>>
        %dma_wait3A_105 = tpu.memref_squeeze %dma_wait3A_104 : memref<1x88xi32, #tpu.memory_space<vmem>> -> memref<88xi32, #tpu.memory_space<vmem>>
        %dma_wait3A_106 = arith.constant 0 : i32
        %dma_wait3A_107 = arith.constant 0 : i32
        %dma_wait3A_108 = tpu.memref_slice %arg14[%dma_wait3A_106, %dma_wait3A_107] : memref<10112x128xf32, #tpu.memory_space<vmem_shared>> -> memref<10112x128xf32, #tpu.memory_space<vmem_shared>>
        tpu.wait_indirect_dma semaphore(%run_scoped3A : memref<!tpu.dma_semaphore, #tpu.memory_space<semaphore_mem>>) src(%arg13 : memref<88x128xf32, #tpu.memory_space<vmem>>) dst(%dma_wait3A_108 : memref<10112x128xf32, #tpu.memory_space<vmem_shared>>)
        tpu.yield
      }) : () -> ()
      %add3A_90 = arith.constant 3 : i32
      %add3A_91 = arith.addi %add3A_79, %add3A_90 : i32
      %lt3A_92 = arith.constant 114 : i32
      %lt3A_93 = arith.cmpi slt, %add3A_91, %lt3A_92 : i32
      %convert_element_type3A_94 = arith.extui %lt3A_93 : i1 to i32
      %cond3A_95 = arith.constant 0 : i32
      %cond3A_96 = arith.cmpi ne, %convert_element_type3A_94, %cond3A_95 : i32
      scf.if %cond3A_96 {
        %dma_wait3A_97 = tpu.memref_slice %arg3[%mul3A_2] : memref<321024xi32, #tpu.memory_space<hbm>> -> memref<88xi32, #tpu.memory_space<hbm>>
        %dma_wait3A_98 = tpu.memref_slice %arg3[%mul3A_2] : memref<321024xi32, #tpu.memory_space<hbm>> -> memref<88xi32, #tpu.memory_space<hbm>>
        tpu.wait_dma2 semaphore(%arg20 : memref<!tpu.dma_semaphore, #tpu.memory_space<semaphore_mem>>) src(%dma_wait3A_98 : memref<88xi32, #tpu.memory_space<hbm>>) dst(%arg10 : memref<88xi32, #tpu.memory_space<vmem>>)
        %dma_start3A_99 = arith.constant 0 : i32
        %dma_start3A_100 = arith.constant 0 : i32
        %dma_start3A_101 = tpu.memref_slice %arg2[%dma_start3A_99, %dma_start3A_100] : memref<10000x128xf32, #tpu.memory_space<hbm>> -> memref<10000x128xf32, #tpu.memory_space<hbm>>
        tpu.enqueue_indirect_dma source(%dma_start3A_101 : memref<10000x128xf32, #tpu.memory_space<hbm>>) target(%arg13 : memref<88x128xf32, #tpu.memory_space<vmem>>) offsets(%arg10 : memref<88xi32, #tpu.memory_space<vmem>>) semaphore(%arg17 : memref<!tpu.dma_semaphore, #tpu.memory_space<semaphore_mem>>)
      } else {
      }
    }
    %scan3A_36 = arith.constant 38 : i32
    %barrier3A_37 = arith.constant 0 : index
    tpu.barrier barrier_id(%barrier3A_37)
    %mul3A_38 = arith.constant 632 : i32
    %mul3A_39 = arith.muli %arg1, %mul3A_38 : i32
    %mul3A_40 = arith.constant 632 : i32
    %mul3A_41 = arith.muli %arg1, %mul3A_40 : i32
    "tpu.region"() ({
      %run_scoped3A = tpu.sem_alloc : memref<!tpu.dma_semaphore, #tpu.memory_space<semaphore_mem>>
      %dma_start3A_42 = arith.constant 0 : i32
      %dma_start3A_43 = tpu.memref_slice %arg6[%arg0, %mul3A_41, %dma_start3A_42] : memref<2x10112x128xf32, #tpu.memory_space<hbm>> -> memref<1x632x128xf32, #tpu.memory_space<hbm>>
      %dma_start3A_44 = tpu.memref_squeeze %dma_start3A_43 : memref<1x632x128xf32, #tpu.memory_space<hbm>> -> memref<632x128xf32, #tpu.memory_space<hbm>>
      %dma_start3A_45 = arith.constant 0 : i32
      %dma_start3A_46 = tpu.memref_slice %arg14[%mul3A_39, %dma_start3A_45] : memref<10112x128xf32, #tpu.memory_space<vmem_shared>> -> memref<632x128xf32, #tpu.memory_space<vmem_shared>>
      tpu.enqueue_dma source(%dma_start3A_46 : memref<632x128xf32, #tpu.memory_space<vmem_shared>>) target(%dma_start3A_44 : memref<632x128xf32, #tpu.memory_space<hbm>>) target_semaphore(%run_scoped3A : memref<!tpu.dma_semaphore, #tpu.memory_space<semaphore_mem>>)
      %dma_wait3A_47 = arith.constant 0 : i32
      %dma_wait3A_48 = tpu.memref_slice %arg6[%arg0, %mul3A_41, %dma_wait3A_47] : memref<2x10112x128xf32, #tpu.memory_space<hbm>> -> memref<1x632x128xf32, #tpu.memory_space<hbm>>
      %dma_wait3A_49 = tpu.memref_squeeze %dma_wait3A_48 : memref<1x632x128xf32, #tpu.memory_space<hbm>> -> memref<632x128xf32, #tpu.memory_space<hbm>>
      %dma_wait3A_50 = arith.constant 0 : i32
      %dma_wait3A_51 = tpu.memref_slice %arg14[%mul3A_39, %dma_wait3A_50] : memref<10112x128xf32, #tpu.memory_space<vmem_shared>> -> memref<632x128xf32, #tpu.memory_space<vmem_shared>>
      tpu.wait_dma2 semaphore(%run_scoped3A : memref<!tpu.dma_semaphore, #tpu.memory_space<semaphore_mem>>) src(%dma_wait3A_51 : memref<632x128xf32, #tpu.memory_space<vmem_shared>>) dst(%dma_wait3A_49 : memref<632x128xf32, #tpu.memory_space<hbm>>)
      tpu.yield
    }) : () -> ()
    return
  }
}

module attributes {stable_mosaic.version = 14 : i64} {
  func.func @_k1_body(%arg0: i32, %arg1: memref<2000x128xf32, #tpu.memory_space<vmem>>, %arg2: memref<128x128xf32, #tpu.memory_space<vmem>>, %arg3: memref<2000x1xf32, #tpu.memory_space<vmem>>, %arg4: memref<2000x1xf32, #tpu.memory_space<vmem>>, %arg5: memref<2000x128xf32, #tpu.memory_space<vmem>>, %arg6: memref<2000x1xf32, #tpu.memory_space<vmem>>) attributes {dimension_semantics = [#tpu.dimension_semantics<arbitrary>], iteration_bounds = array<i64: 5>, scalar_prefetch = 0 : i64, scratch_operands = 0 : i64, tpu.core_type = #tpu.core_type<tc>, window_params = [{transform_indices = @transform_0, window_bounds = array<i64: 2000, 128>}, {pipeline_mode = #tpu.pipeline_mode<synchronous>, transform_indices = @transform_1, window_bounds = array<i64: 128, 128>}, {transform_indices = @transform_2, window_bounds = array<i64: 2000, 1>}, {transform_indices = @transform_3, window_bounds = array<i64: 2000, 1>}, {transform_indices = @transform_4, window_bounds = array<i64: 2000, 128>}, {transform_indices = @transform_5, window_bounds = array<i64: 2000, 1>}]} {
    %get3A = arith.constant 0 : index
    %get3A_0 = arith.constant 0 : index
    %get3A_1 = vector.load %arg3[%get3A, %get3A_0] : memref<2000x1xf32, #tpu.memory_space<vmem>>, vector<2000x1xf32>
    %get3A_2 = arith.constant 0 : index
    %get3A_3 = arith.constant 0 : index
    %get3A_4 = vector.load %arg4[%get3A_2, %get3A_3] : memref<2000x1xf32, #tpu.memory_space<vmem>>, vector<2000x1xf32>
    %add3A = arith.addf %get3A_1, %get3A_4 : vector<2000x1xf32>
    %add3A_5 = arith.constant 1.000000e+00 : f32
    %add3A_6 = vector.broadcast %add3A_5 : f32 to vector<2000x1xf32>
    %add3A_7 = arith.addf %add3A, %add3A_6 : vector<2000x1xf32>
    %rsqrt3A = math.rsqrt %add3A_7 : vector<2000x1xf32>
    %get3A_8 = arith.constant 0 : index
    %get3A_9 = arith.constant 0 : index
    %get3A_10 = vector.load %arg1[%get3A_8, %get3A_9] : memref<2000x128xf32, #tpu.memory_space<vmem>>, vector<2000x128xf32>
    %get3A_11 = arith.constant 0 : index
    %get3A_12 = arith.constant 0 : index
    %get3A_13 = vector.load %arg2[%get3A_11, %get3A_12] : memref<128x128xf32, #tpu.memory_space<vmem>>, vector<128x128xf32>
    %dot_general3A = arith.constant dense<0.000000e+00> : vector<2000x128xf32>
    %dot_general3A_14 = tpu.matmul %get3A_10, %get3A_13, %dot_general3A {dimension_numbers = #tpu.dot_dimension_numbers<[1], [0], [0], [1], [0, 0, 1, 1], [], []>, transpose_lhs_hint = false} : vector<2000x128xf32>, vector<128x128xf32>, vector<2000x128xf32> -> vector<2000x128xf32>
    %mul3A = vector.broadcast %rsqrt3A : vector<2000x1xf32> to vector<2000x128xf32>
    %mul3A_15 = arith.mulf %dot_general3A_14, %mul3A : vector<2000x128xf32>
    %swap3A = arith.constant 0 : index
    %swap3A_16 = arith.constant 0 : index
    %swap3A_17 = vector.load %arg5[%swap3A, %swap3A_16] : memref<2000x128xf32, #tpu.memory_space<vmem>>, vector<2000x128xf32>
    tpu.vector_store %arg5[%swap3A, %swap3A_16], %mul3A_15 {strides = array<i32>} : memref<2000x128xf32, #tpu.memory_space<vmem>>, vector<2000x128xf32>,
    %swap3A_18 = arith.constant 0 : index
    %swap3A_19 = arith.constant 0 : index
    %swap3A_20 = vector.load %arg6[%swap3A_18, %swap3A_19] : memref<2000x1xf32, #tpu.memory_space<vmem>>, vector<2000x1xf32>
    tpu.vector_store %arg6[%swap3A_18, %swap3A_19], %rsqrt3A {strides = array<i32>} : memref<2000x1xf32, #tpu.memory_space<vmem>>, vector<2000x1xf32>,
    return
  }
  func.func @transform_0(%arg0: i32) -> (i32, i32) {
    %c0_i32 = arith.constant 0 : i32
    %c0_i32_0 = arith.constant 0 : i32
    return %arg0, %c0_i32 : i32, i32
  }
  func.func @transform_1(%arg0: i32) -> (i32, i32) {
    %c0_i32 = arith.constant 0 : i32
    %c0_i32_0 = arith.constant 0 : i32
    %c0_i32_1 = arith.constant 0 : i32
    return %c0_i32, %c0_i32_0 : i32, i32
  }
  func.func @transform_2(%arg0: i32) -> (i32, i32) {
    %c0_i32 = arith.constant 0 : i32
    %c0_i32_0 = arith.constant 0 : i32
    return %arg0, %c0_i32 : i32, i32
  }
  func.func @transform_3(%arg0: i32) -> (i32, i32) {
    %c0_i32 = arith.constant 0 : i32
    %c0_i32_0 = arith.constant 0 : i32
    return %arg0, %c0_i32 : i32, i32
  }
  func.func @transform_4(%arg0: i32) -> (i32, i32) {
    %c0_i32 = arith.constant 0 : i32
    %c0_i32_0 = arith.constant 0 : i32
    return %arg0, %c0_i32 : i32, i32
  }
  func.func @transform_5(%arg0: i32) -> (i32, i32) {
    %c0_i32 = arith.constant 0 : i32
    %c0_i32_0 = arith.constant 0 : i32
    return %arg0, %c0_i32 : i32, i32
  }
}

module attributes {stable_mosaic.version = 14 : i64} {
  func.func @_k2_body(%arg0: i32, %arg1: memref<2000x128xf32, #tpu.memory_space<vmem>>, %arg2: memref<2000x128xf32, #tpu.memory_space<vmem>>, %arg3: memref<2000x128xf32, #tpu.memory_space<vmem>>, %arg4: memref<2000x1xf32, #tpu.memory_space<vmem>>, %arg5: memref<1x128xf32, #tpu.memory_space<vmem>>, %arg6: memref<128x128xf32, #tpu.memory_space<vmem>>, %arg7: memref<2000x128xf32, #tpu.memory_space<vmem>>) attributes {dimension_semantics = [#tpu.dimension_semantics<arbitrary>], iteration_bounds = array<i64: 5>, scalar_prefetch = 0 : i64, scratch_operands = 0 : i64, tpu.core_type = #tpu.core_type<tc>, window_params = [{transform_indices = @transform_0, window_bounds = array<i64: 2000, 128>}, {transform_indices = @transform_1, window_bounds = array<i64: 2000, 128>}, {transform_indices = @transform_2, window_bounds = array<i64: 2000, 128>}, {transform_indices = @transform_3, window_bounds = array<i64: 2000, 1>}, {pipeline_mode = #tpu.pipeline_mode<synchronous>, transform_indices = @transform_4, window_bounds = array<i64: 1, 128>}, {pipeline_mode = #tpu.pipeline_mode<synchronous>, transform_indices = @transform_5, window_bounds = array<i64: 128, 128>}, {transform_indices = @transform_6, window_bounds = array<i64: 2000, 128>}]} {
    %get3A = arith.constant 0 : index
    %get3A_0 = arith.constant 0 : index
    %get3A_1 = vector.load %arg4[%get3A, %get3A_0] : memref<2000x1xf32, #tpu.memory_space<vmem>>, vector<2000x1xf32>
    %get3A_2 = arith.constant 0 : index
    %get3A_3 = arith.constant 0 : index
    %get3A_4 = vector.load %arg1[%get3A_2, %get3A_3] : memref<2000x128xf32, #tpu.memory_space<vmem>>, vector<2000x128xf32>
    %get3A_5 = arith.constant 0 : index
    %get3A_6 = arith.constant 0 : index
    %get3A_7 = vector.load %arg2[%get3A_5, %get3A_6] : memref<2000x128xf32, #tpu.memory_space<vmem>>, vector<2000x128xf32>
    %add3A = arith.addf %get3A_4, %get3A_7 : vector<2000x128xf32>
    %get3A_8 = arith.constant 0 : index
    %get3A_9 = arith.constant 0 : index
    %get3A_10 = vector.load %arg3[%get3A_8, %get3A_9] : memref<2000x128xf32, #tpu.memory_space<vmem>>, vector<2000x128xf32>
    %add3A_11 = arith.addf %add3A, %get3A_10 : vector<2000x128xf32>
    %mul3A = vector.broadcast %get3A_1 : vector<2000x1xf32> to vector<2000x128xf32>
    %mul3A_12 = arith.mulf %mul3A, %add3A_11 : vector<2000x128xf32>
    %get3A_13 = arith.constant 0 : index
    %get3A_14 = arith.constant 0 : index
    %get3A_15 = vector.load %arg5[%get3A_13, %get3A_14] : memref<1x128xf32, #tpu.memory_space<vmem>>, vector<1x128xf32>
    %add3A_16 = vector.broadcast %get3A_15 : vector<1x128xf32> to vector<2000x128xf32>
    %add3A_17 = arith.addf %mul3A_12, %add3A_16 : vector<2000x128xf32>
    %max3A = arith.constant 0.000000e+00 : f32
    %max3A_18 = vector.broadcast %max3A : f32 to vector<2000x128xf32>
    %max3A_19 = arith.maximumf %add3A_17, %max3A_18 : vector<2000x128xf32>
    %get3A_20 = arith.constant 0 : index
    %get3A_21 = arith.constant 0 : index
    %get3A_22 = vector.load %arg6[%get3A_20, %get3A_21] : memref<128x128xf32, #tpu.memory_space<vmem>>, vector<128x128xf32>
    %dot_general3A = arith.constant dense<0.000000e+00> : vector<2000x128xf32>
    %dot_general3A_23 = tpu.matmul %max3A_19, %get3A_22, %dot_general3A {dimension_numbers = #tpu.dot_dimension_numbers<[1], [0], [0], [1], [0, 0, 1, 1], [], []>, transpose_lhs_hint = false} : vector<2000x128xf32>, vector<128x128xf32>, vector<2000x128xf32> -> vector<2000x128xf32>
    %mul3A_24 = vector.broadcast %get3A_1 : vector<2000x1xf32> to vector<2000x128xf32>
    %mul3A_25 = arith.mulf %dot_general3A_23, %mul3A_24 : vector<2000x128xf32>
    %swap3A = arith.constant 0 : index
    %swap3A_26 = arith.constant 0 : index
    %swap3A_27 = vector.load %arg7[%swap3A, %swap3A_26] : memref<2000x128xf32, #tpu.memory_space<vmem>>, vector<2000x128xf32>
    tpu.vector_store %arg7[%swap3A, %swap3A_26], %mul3A_25 {strides = array<i32>} : memref<2000x128xf32, #tpu.memory_space<vmem>>, vector<2000x128xf32>,
    return
  }
  func.func @transform_0(%arg0: i32) -> (i32, i32) {
    %c0_i32 = arith.constant 0 : i32
    %c0_i32_0 = arith.constant 0 : i32
    return %arg0, %c0_i32 : i32, i32
  }
  func.func @transform_1(%arg0: i32) -> (i32, i32) {
    %c0_i32 = arith.constant 0 : i32
    %c0_i32_0 = arith.constant 0 : i32
    return %arg0, %c0_i32 : i32, i32
  }
  func.func @transform_2(%arg0: i32) -> (i32, i32) {
    %c0_i32 = arith.constant 0 : i32
    %c0_i32_0 = arith.constant 0 : i32
    return %arg0, %c0_i32 : i32, i32
  }
  func.func @transform_3(%arg0: i32) -> (i32, i32) {
    %c0_i32 = arith.constant 0 : i32
    %c0_i32_0 = arith.constant 0 : i32
    return %arg0, %c0_i32 : i32, i32
  }
  func.func @transform_4(%arg0: i32) -> (i32, i32) {
    %c0_i32 = arith.constant 0 : i32
    %c0_i32_0 = arith.constant 0 : i32
    %c0_i32_1 = arith.constant 0 : i32
    return %c0_i32, %c0_i32_0 : i32, i32
  }
  func.func @transform_5(%arg0: i32) -> (i32, i32) {
    %c0_i32 = arith.constant 0 : i32
    %c0_i32_0 = arith.constant 0 : i32
    %c0_i32_1 = arith.constant 0 : i32
    return %c0_i32, %c0_i32_0 : i32, i32
  }
  func.func @transform_6(%arg0: i32) -> (i32, i32) {
    %c0_i32 = arith.constant 0 : i32
    %c0_i32_0 = arith.constant 0 : i32
    return %arg0, %c0_i32 : i32, i32
  }
}

module attributes {stable_mosaic.version = 14 : i64} {
  func.func @_k3_body(%arg0: i32, %arg1: memref<2000x128xf32, #tpu.memory_space<vmem>>, %arg2: memref<2000x128xf32, #tpu.memory_space<vmem>>, %arg3: memref<2000x128xf32, #tpu.memory_space<vmem>>, %arg4: memref<2000x1xf32, #tpu.memory_space<vmem>>, %arg5: memref<1x128xf32, #tpu.memory_space<vmem>>, %arg6: memref<2000x128xf32, #tpu.memory_space<vmem>>) attributes {dimension_semantics = [#tpu.dimension_semantics<arbitrary>], iteration_bounds = array<i64: 5>, scalar_prefetch = 0 : i64, scratch_operands = 0 : i64, tpu.core_type = #tpu.core_type<tc>, window_params = [{transform_indices = @transform_0, window_bounds = array<i64: 2000, 128>}, {transform_indices = @transform_1, window_bounds = array<i64: 2000, 128>}, {transform_indices = @transform_2, window_bounds = array<i64: 2000, 128>}, {transform_indices = @transform_3, window_bounds = array<i64: 2000, 1>}, {pipeline_mode = #tpu.pipeline_mode<synchronous>, transform_indices = @transform_4, window_bounds = array<i64: 1, 128>}, {transform_indices = @transform_5, window_bounds = array<i64: 2000, 128>}]} {
    %get3A = arith.constant 0 : index
    %get3A_0 = arith.constant 0 : index
    %get3A_1 = vector.load %arg4[%get3A, %get3A_0] : memref<2000x1xf32, #tpu.memory_space<vmem>>, vector<2000x1xf32>
    %get3A_2 = arith.constant 0 : index
    %get3A_3 = arith.constant 0 : index
    %get3A_4 = vector.load %arg1[%get3A_2, %get3A_3] : memref<2000x128xf32, #tpu.memory_space<vmem>>, vector<2000x128xf32>
    %get3A_5 = arith.constant 0 : index
    %get3A_6 = arith.constant 0 : index
    %get3A_7 = vector.load %arg2[%get3A_5, %get3A_6] : memref<2000x128xf32, #tpu.memory_space<vmem>>, vector<2000x128xf32>
    %add3A = arith.addf %get3A_4, %get3A_7 : vector<2000x128xf32>
    %get3A_8 = arith.constant 0 : index
    %get3A_9 = arith.constant 0 : index
    %get3A_10 = vector.load %arg3[%get3A_8, %get3A_9] : memref<2000x128xf32, #tpu.memory_space<vmem>>, vector<2000x128xf32>
    %add3A_11 = arith.addf %add3A, %get3A_10 : vector<2000x128xf32>
    %mul3A = vector.broadcast %get3A_1 : vector<2000x1xf32> to vector<2000x128xf32>
    %mul3A_12 = arith.mulf %mul3A, %add3A_11 : vector<2000x128xf32>
    %get3A_13 = arith.constant 0 : index
    %get3A_14 = arith.constant 0 : index
    %get3A_15 = vector.load %arg5[%get3A_13, %get3A_14] : memref<1x128xf32, #tpu.memory_space<vmem>>, vector<1x128xf32>
    %add3A_16 = vector.broadcast %get3A_15 : vector<1x128xf32> to vector<2000x128xf32>
    %add3A_17 = arith.addf %mul3A_12, %add3A_16 : vector<2000x128xf32>
    %swap3A = arith.constant 0 : index
    %swap3A_18 = arith.constant 0 : index
    %swap3A_19 = vector.load %arg6[%swap3A, %swap3A_18] : memref<2000x128xf32, #tpu.memory_space<vmem>>, vector<2000x128xf32>
    tpu.vector_store %arg6[%swap3A, %swap3A_18], %add3A_17 {strides = array<i32>} : memref<2000x128xf32, #tpu.memory_space<vmem>>, vector<2000x128xf32>,
    return
  }
  func.func @transform_0(%arg0: i32) -> (i32, i32) {
    %c0_i32 = arith.constant 0 : i32
    %c0_i32_0 = arith.constant 0 : i32
    return %arg0, %c0_i32 : i32, i32
  }
  func.func @transform_1(%arg0: i32) -> (i32, i32) {
    %c0_i32 = arith.constant 0 : i32
    %c0_i32_0 = arith.constant 0 : i32
    return %arg0, %c0_i32 : i32, i32
  }
  func.func @transform_2(%arg0: i32) -> (i32, i32) {
    %c0_i32 = arith.constant 0 : i32
    %c0_i32_0 = arith.constant 0 : i32
    return %arg0, %c0_i32 : i32, i32
  }
  func.func @transform_3(%arg0: i32) -> (i32, i32) {
    %c0_i32 = arith.constant 0 : i32
    %c0_i32_0 = arith.constant 0 : i32
    return %arg0, %c0_i32 : i32, i32
  }
  func.func @transform_4(%arg0: i32) -> (i32, i32) {
    %c0_i32 = arith.constant 0 : i32
    %c0_i32_0 = arith.constant 0 : i32
    %c0_i32_1 = arith.constant 0 : i32
    return %c0_i32, %c0_i32_0 : i32, i32
  }
  func.func @transform_5(%arg0: i32) -> (i32, i32) {
    %c0_i32 = arith.constant 0 : i32
    %c0_i32_0 = arith.constant 0 : i32
    return %arg0, %c0_i32 : i32, i32
  }
}

</mosaic_0001>

<sc_bundles>
// kernel: kernel.11.cloned.1.call-start
scs
__scs_entry_jumppad:
0x0: {  	(pc) =	sbr.rel $0x88, $3  }
0x1: {  	(tag) =	ssettag $0x0;
	lr =	simm.s32 $0x1  }
0x2: {  	[smem:$0x3F9B] =	sst lr;
	_ =	strace $0xD0000000  }
0x3: {  	_ = 	snop  }
0x4: {  	_ = 	snop  }
0x5: {  	_ = 	snop  }
0x6: {  	_ = 	snop  }
0x7: {  	_ = 	snop  }
__scs_overlays_trampoline_lowered:
0x8: {  	[smem:$0x3FAA] =	sst s0  }
0x9: {  	[smem:$0x3FAB] =	sst s1  }
0xa: {  	[smem:$0x3FAC] =	sst s2  }
0xb: {  	[smem:$0x3FAD] =	sst s3  }
0xc: {  	[smem:$0x3FAE] =	sst s4  }
0xd: {  	[smem:$0x3FAF] =	sst s5  }
0xe: {  	[smem:$0x3FB0] =	sst s6  }
0xf: {  	[smem:$0x3FB1] =	sst s7  }
0x10: {  	[smem:$0x3FB2] =	sst s8  }
0x11: {  	[smem:$0x3FB3] =	sst s9;
	s0 =	simm.s32 @!p0 $0x0  }
0x12: {  	s1 =	sld [smem:$0x3F99];
	s0 =	simm.s32 @p0 $0x1  }
0x13: {  	[smem:$0x3FB4] =	sst s0;
	s0 =	simm.s32 @!p1 $0x0  }
0x14: {  	s2 =	sld [smem:$0x3F98];
	s0 =	simm.s32 @p1 $0x1  }
0x15: {  	[smem:$0x3FB5] =	sst s0;
	s0 =	simm.s32 @!p2 $0x0  }
0x16: {  	s3 =	sld [smem:$0x3FDB];
	s0 =	simm.s32 @p2 $0x1  }
0x17: {  	s4 =	simm.s32 $0x1BF5;
	[smem:$0x3FB7] =	sst s0  }
0x18: {  	s0 =	sld [smem:$0x3F9A];
	_ =	swait.ge [sflag:s4], $0x0  }
0x19: {  	s7 =	sld [smem:$0x3F9B]  }
0x1a: {  	s8 =	sadd.s32 $0xFFFFE003, lr  }
0x1b: {  	s9 =	sadd.s32 $0xFFFFFEF7, lr;
	s5 =	simm.s32 $0xFFFFFFFF;
	p2 =	slt.u32 s8, $0xFFFFF086  }
0x1c: {  	p1 =	slt.u32 s9, $0xF7A;
	s5 =	simm.s32 @!p2 $0x0  }
0x1d: {  	s5 =	simm.s32 @p1 $0x1;
	p0 =	seq.s32 s7, s2  }
0x1e: {  	s7 =	smul.u32 @!p0 $0xF7A, s2;
	p2 =	seq.s32 @!p0 s5, $0x0  }
0x1f: {  	s9 =	smul.u32 $0xF7A, s1;
	s8 =	simm.s32 @!p0 $0x1BF5;
	p2 =	por !p2, p0  }
0x20: {  	[sflag:s8] =	ssyncset.s32 @!p0 $0xFFFFF086;
	s6 =	sadd.s32 @!p0 s3, s7;
	s7 =	simm.s32 @!p0 $0x108  }
0x21: {  	s3 =	sadd.s32 s3, s9;
	s6 =	sadd.s32 @!p0 $0x88, s6;
	s7 =	simm.s32 @p2 $0x1082  }
0x22: {  	[simem:s7], [sflag:s8] =	dma.local @!p0 [hbm:s6], $0xF7A  }
0x23: {  	s9 =	sor.u32 $0xD0000000, s2;
	s6 =	simm.s32 $0x108;
	_ =	swait.ge @!p0 [sflag:s8], $0x0  }
0x24: {  	s3 =	sadd.s32 $0x88, s3;
	s6 =	simm.s32 @!p1 $0x1082;
	[sflag:s4] =	ssyncset.s32 $0xFFFFF086  }
0x25: {  	[simem:s6], [sflag:s4] =	dma.local [hbm:s3], $0xF7A  }
0x26: {  	[smem:$0x3F9B] =	sst s1;
	(tag) =	ssettag s2;
	_ =	strace s9  }
0x27: {  	s1 =	sld [smem:$0x3FAB]  }
0x28: {  	s2 =	sld [smem:$0x3FAC]  }
0x29: {  	s4 =	sld [smem:$0x3FAE]  }
0x2a: {  	p0 =	seq.s32 s5, $0x0;
	s5 =	sld [smem:$0x3FAF]  }
0x2b: {  	s6 =	sld [smem:$0x3FB0]  }
0x2c: {  	s7 =	sld [smem:$0x3FB1]  }
0x2d: {  	s3 =	simm.s32 $0x108;
	s8 =	sld [smem:$0x3FB2]  }
0x2e: {  	s3 =	simm.s32 @!p0 $0x1082;
	s9 =	sld [smem:$0x3FB3]  }
0x2f: {  	lr =	sadd.s32 s0, s3;
	s0 =	sld [smem:$0x3FAA]  }
0x30: {  	s3 =	sld [smem:$0x3FAD]  }
0x31: {  	[smem:$0x3FB6] =	sst s10  }
0x32: {  	s10 =	sld [smem:$0x3FB4];
	_ =	sdelay $0x3  }
0x33: {  	p0 =	seq.s32 s10, $0x1;
	s10 =	sld [smem:$0x3FB6];
	_ =	sdelay $0x3  }
0x34: {  	[smem:$0x3FB6] =	sst s10  }
0x35: {  	s10 =	sld [smem:$0x3FB5];
	_ =	sdelay $0x3  }
0x36: {  	p1 =	seq.s32 s10, $0x1;
	s10 =	sld [smem:$0x3FB6];
	_ =	sdelay $0x3  }
0x37: {  	[smem:$0x3FB6] =	sst s10  }
0x38: {  	s10 =	sld [smem:$0x3FB7]  }
0x39: {  	_ = 	snop;
	(pc) =	sbr.ind lr, $3  }
0x3a: {  	_ = 	snop  }
0x3b: {  	_ = 	snop  }
0x3c: {  	p2 =	seq.s32 s10, $0x1;
	s10 =	sld [smem:$0x3FB6]  }
0x3d: {  	_ =	shalt  }
0x3e: {  	_ =	shalt  }
0x3f: {  	_ =	shalt  }
0x40: {  	_ =	shalt  }
0x41: {  	_ =	shalt  }
0x42: {  	_ =	shalt  }
0x43: {  	_ =	shalt  }
0x44: {  	_ =	shalt  }
0x45: {  	_ =	shalt  }
0x46: {  	_ =	shalt  }
0x47: {  	_ =	shalt  }
0x48: {  	_ =	shalt  }
0x49: {  	_ =	shalt  }
0x4a: {  	_ =	shalt  }
0x4b: {  	_ =	shalt  }
0x4c: {  	_ =	shalt  }
0x4d: {  	_ =	shalt  }
0x4e: {  	_ =	shalt  }
0x4f: {  	_ =	shalt  }
0x50: {  	_ =	shalt  }
0x51: {  	_ =	shalt  }
0x52: {  	_ =	shalt  }
0x53: {  	_ =	shalt  }
0x54: {  	_ =	shalt  }
0x55: {  	_ =	shalt  }
0x56: {  	_ =	shalt  }
0x57: {  	_ =	shalt  }
0x58: {  	_ =	shalt  }
0x59: {  	_ =	shalt  }
0x5a: {  	_ =	shalt  }
0x5b: {  	_ =	shalt  }
0x5c: {  	_ =	shalt  }
0x5d: {  	_ =	shalt  }
0x5e: {  	_ =	shalt  }
0x5f: {  	_ =	shalt  }
0x60: {  	_ =	shalt  }
0x61: {  	_ =	shalt  }
0x62: {  	_ =	shalt  }
0x63: {  	_ =	shalt  }
0x64: {  	_ =	shalt  }
0x65: {  	_ =	shalt  }
0x66: {  	_ =	shalt  }
0x67: {  	_ =	shalt  }
0x68: {  	_ =	shalt  }
0x69: {  	_ =	shalt  }
0x6a: {  	_ =	shalt  }
0x6b: {  	_ =	shalt  }
0x6c: {  	_ =	shalt  }
0x6d: {  	_ =	shalt  }
0x6e: {  	_ =	shalt  }
0x6f: {  	_ =	shalt  }
0x70: {  	_ =	shalt  }
0x71: {  	_ =	shalt  }
0x72: {  	_ =	shalt  }
0x73: {  	_ =	shalt  }
0x74: {  	_ =	shalt  }
0x75: {  	_ =	shalt  }
0x76: {  	_ =	shalt  }
0x77: {  	_ =	shalt  }
0x78: {  	_ =	shalt  }
0x79: {  	_ =	shalt  }
0x7a: {  	_ =	shalt  }
0x7b: {  	_ =	shalt  }
0x7c: {  	_ =	shalt  }
0x7d: {  	_ =	shalt  }
0x7e: {  	_ =	shalt  }
0x7f: {  	_ =	shalt  }
0x80: {  	_ =	shalt  }
0x81: {  	_ =	shalt  }
0x82: {  	_ =	shalt  }
0x83: {  	_ =	shalt  }
0x84: {  	_ =	shalt  }
0x85: {  	_ =	shalt  }
0x86: {  	_ =	shalt  }
0x87: {  	_ =	shalt  }
.Lfunc_end0:
.L_simem_size_0:
called_computation.1_lowered:
.L_overlay_start_0:
0x88: {  	s2 =	sld [smem:$0x3FD9]  }
0x89: {  	s3 =	sld [smem:$0x3FFE];
	_ =	sdelay $0x1  }
0x8a: {  	s1 =	srdreg.scid  }
0x8b: {  	s0 =	sand.u32 $0x1, s1  }
0x8c: {  	s17 =	sshll.u32 s0, $0xA;
	s2 =	sadd.s32 s3, s2  }
0x8d: {  	s2 =	sadd.s32 s2, s17  }
0x8e: {  	[smem:$0x3FC2] =	sst s2  }
0x8f: {  	_ = 	snop  }
0x90: {  	s2 =	sld [smem:$0x3FD0];
	(tm) =	ssettm $0x1  }
0x91: {  	s18 =	sld [smem:$0x3FFB];
	_ =	sdelay $0x3  }
0x92: {  	_ =	strace s18  }
0x93: {  	s3 =	sld [smem:$0x3FFC];
	_ =	sdelay $0x3  }
0x94: {  	_ =	strace s3  }
0x95: {  	s3 =	sld [smem:$0x3FFD];
	_ =	sdelay $0x3  }
0x96: {  	_ =	strace s3  }
0x97: {  	_ =	strace $0x8FFFFFFF  }
0x98: {  	s19 =	sld [smem:$0x3FDB];
	_ =	sdelay $0x1  }
0x99: {  	s4 =	simm.s32 $_scs_section_size  }
0x9a: {  	s5 =	simm.s32 $_size__tile_overlayer_lowered;
	s6 =	simm.s32 $_tile_overlayer_lowered  }
0x9b: {  	s22 =	simm.s32 $0x1BFF;
	s21 =	sshll.u32 s6, $0x1;
	s3 =	sadd.s32 s4, s19  }
0x9c: {  	s7 =	simm.s32 $0x0;
	s20 =	sshll.u32 s5, $0x1;
	s5 =	sadd.s32 s21, s3  }
0x9d: {  	[timem:s7], [sflag:s22] =	dma.local [hbm:s5], s20  }
0x9e: {  	_ =	swait.ge [sflag:s22], s20  }
0x9f: {  	s4 =	ssub.s32 $0x0, s20;
	[sflag:s22] =	ssyncset.done $0x0  }
0xa0: {  	[sflag:s22] =	ssyncadd.s32 s4;
	_ =	sdelay $0x1  }
0xa1: {  	s23 =	simm.s32 $0x1B8B  }
0xa2: {  	_ =	swait.ge [sflag:s23], $0x1  }
0xa3: {  	[sflag:s23] =	ssyncset.done $0x0  }
0xa4: {  	s25 =	simm.s32 $0x1B8E;
	s24 =	sld [smem:$0x3FFE];
	[sflag:s23] =	ssyncadd.s32 $0xFFFFFFFF  }
0xa5: {  	s26 =	simm.s32 $execute0_lowered;
	[smem:$0x3FD2] =	sst s25  }
0xa6: {  	s5 =	sshll.u32 s26, $0x1;
	_ =	strace $0x80000049;
	[dreg:$0x1] =	wrdreg $0xFFFFFFFF  }
0xa7: {  	s28 =	simm.s32 $_size_execute0_lowered;
	s3 =	sadd.s32 s3, s5;
	[dreg:$0x0] =	wrdreg $0x0  }
0xa8: {  	s5 =	sshll.u32 s28, $0x1;
	[dreg:$0x2] =	wrdreg s3  }
0xa9: {  	[dreg:$0x3] =	wrdreg s5  }
0xaa: {  	[dreg:$0x4] =	wrdreg $0xC0  }
0xab: {  	_ =	task [dreg:s7], $0x5FFFF  }
0xac: {  	[dreg:$0x1] =	wrdreg $0xFFFFFFFF  }
0xad: {  	[dreg:$0x0] =	wrdreg $0x60  }
0xae: {  	[dreg:$0x2] =	wrdreg s2  }
0xaf: {  	[dreg:$0x3] =	wrdreg s24  }
0xb0: {  	[dreg:$0x4] =	wrdreg $0xC1800  }
0xb1: {  	[dreg:$0x5] =	wrdreg $0x9  }
0xb2: {  	_ =	task.clear_ibuf [dreg:s7], $0x6FFFF;
	_ =	strace $0x90000049  }
0xb3: {  	s29 =	simm.s32 $0x9;
	_ =	strace $0x8000004B  }
0xb4: {  	_ =	swait.ge [sflag:s29], $0x1  }
0xb5: {  	[sflag:s29] =	ssyncadd.s32 $0xFFFFFFFF  }
0xb6: {  	_ =	strace $0x9000004B  }
0xb7: {  	_ =	sfence  }
0xb8: {  	s30 =	sld [smem:$0x0];
	_ =	sdelay $0x2  }
0xb9: {  	s31 =	sshll.u32 s1, $0xD;
	s1 =	sshrl.u32 s1, $0x2  }
0xba: {  	s3 =	sand.u32 $0x4000, s31;
	s1 =	sadd.s32 s1, s30  }
0xbb: {  	s0 =	sor.u32 s3, s0;
	s1 =	sshll.u32 s1, $0x11  }
0xbc: {  	s0 =	sor.u32 s1, s0  }
0xbd: {  	s0 =	sadd.s32 $0x8F2B, s0  }
0xbe: {  	[sflag:s0] =	ssyncadd.remote.s32 $0x1  }
0xbf: {  	_ =	sfence.sel $0xFFFF  }
0xc0: {  	[dreg:$0x0] =	wrdreg $0xFFFFFFFF;
	(pc) =	sbr.abs _section_cstart, $3  }
0xc1: {  	[dreg:$0x1] =	wrdreg $0xFFFFFFFF  }
0xc2: {  	_ =	task.clear_ibuf [dreg:s7], $0x2FFFF;
	_ =	strace $0x9FFFFFFF  }
0xc3: {  	(tm) =	ssettm $0x7FFFFFFF  }
tec
execute0_lowered:
.L_overlay_start_1:
0x0: {  	(tag) =	ssettag $0x1  }
0x1: {  	s0 =	srdreg.scid;
	s1 =	rddreg [dreg:$0x0]  }
0x2: {  	s12 =	stileid.u32;
	s6 =	rddreg [dreg:$0x1]  }
0x3: {  	s3 =	rddreg [dreg:$0x2];
	s4 =	simm.s32 $0x0;
	s28 =	simm.s32 $0x6  }
0x4: {  	s29 =	simm.s32 $0x9580;
	s30 =	simm.s32 $0x1;
	s8 =	smul.u32 $0x13C00, s12  }
0x5: {  	s31 =	simm.s32 $0x2;
	s0 =	sand.u32 $0x1, s0;
	s11 =	smul.u32 $0x4F000, s12  }
0x6: {  	s2 =	sshll.u32 s12, $0x1;
	s20 =	sshll.u32 s12, $0x6;
	s12 =	smul.u32 $0x4E60, s12  }
0x7: {  	[smem:$0x7FF] =	sst s4;
	s5 =	sadd.s32 $0x13400, s6;
	s9 =	smul.u32 $0x13C000, s0  }
0x8: {  	s2 =	sor.u32 s0, s2;
	s17 =	ssub.s32 $0x2, s0;
	s0 =	smul.u32 $0x2730, s0  }
0x9: {  	_ =	strace $0x8000004A;
	s7 =	smul.u32 $0x780, s2;
	s16 =	sshrl.u32 s8, $0x3  }
0xa: {  	s18 =	sshrl.u32 s17, $0x1;
	s2 =	smul.u32 $0x2730, s2;
	s19 =	sshrl.u32 s11, $0x2  }
0xb: {  	s8 =	sadd.s32 s8, s9;
	s9 =	sadd.s32 s19, s3;
	s0 =	sadd.s32 s0, s12  }
0xc: {  	s19 =	simm.s32 $0x3C00;
	s10 =	sadd.s32 s7, s6;
	s8 =	sshrl.u32 s8, $0x3  }
0xd: {  	s7 =	sadd.s32 s16, s6;
	s21 =	sshrl.u32 s2, $0x3;
	s2 =	sadd.s32 $0x58, s2  }
0xe: {  	s23 =	sadd.s32 $0x1B8, s0;
	s24 =	sadd.s32 $0x160, s0;
	s16 =	sadd.s32 $0x108, s0  }
0xf: {  	s0 =	simm.s32 $0x0;
	s6 =	sadd.s32 s8, s6;
	s8 =	ssub.s32 s17, s18  }
0x10: {  	s7 =	sadd.s32 $0x44400, s7;
	s10 =	sadd.s32 $0x4400, s10;
	s2 =	sshrl.u32 s2, $0x3  }
0x11: {  	s26 =	sshrl.u32 s24, $0x3;
	s17 =	sshrl.u32 s9, $0x3;
	s18 =	simm.s32 $0x7  }
0x12: {  	s24 =	simm.s32 $0x3D80;
	[dreg:$0x4] =	wrdreg s7;
	s7 =	sor.u32 $0x1C07, s20  }
0x13: {  	[dreg:$0x5] =	wrdreg s10;
	s10 =	sadd.s32 s5, s21;
	s2 =	sadd.s32 s5, s2  }
0x14: {  	s6 =	sadd.s32 $0x6BC00, s6;
	s25 =	smax.u32 s8, $0x1;
	[dreg:$0x7] =	wrdreg s2  }
0x15: {  	s15 =	sadd.s32 s26, s5;
	s20 =	simm.s32 $0x3C80;
	[dreg:$0x6] =	wrdreg s10  }
0x16: {  	s21 =	simm.s32 $0x3D00;
	s26 =	simm.s32 $0x6980;
	[dreg:$0x9] =	wrdreg s6  }
0x17: {  	s22 =	sadd.s32 $0x16, s10;
	s2 =	sshrl.u32 s23, $0x3;
	[dreg:$0xa] =	wrdreg s25  }
0x18: {  	s23 =	simm.s32 $0x58;
	s25 =	simm.s32 $0x5;
	[dreg:$0x8] =	wrdreg s22  }
0x19: {  	s6 =	sadd.s32 s2, s5;
	s22 =	simm.s32 $0x4;
	s2 =	simm.s32 $0x3  }
.LBB2_1:
0x1a: {  	s8 =	rddreg [dreg:$0x4]  }
0x1b: {  	[spmem:s17], [sflag:s7] =	dma.local [hbm:s8], $0x2780  }
0x1c: {  	_ =	swait.ge [sflag:s18], $0x2780  }
0x1d: {  	[sflag:s18] =	ssyncset.done $0x0  }
0x1e: {  	s13 =	rddreg [dreg:$0x5];
	[sflag:s18] =	ssyncadd.s32 $0xFFFFD880  }
0x1f: {  	[tilespmem:s4], [sflag:$0x7] =	stream.linear.gather [hbm4b:s13+s4], $0x3900, $0x38;
	[tilespmem:$0x1FD80] =	vst v63  }
0x20: {  	_ =	swait.ge [sflag:s18], $0x3900  }
0x21: {  	[sflag:s18] =	ssyncset.done $0x0  }
0x22: {  	[sflag:s18] =	ssyncadd.s32 $0xFFFFC700  }
0x23: {  	[bflag:$0x0] =	sbarrier.arrive $0xFFFF  }
0x24: {  	s14 =	rddreg [dreg:$0x6]  }
0x25: {  	[tilespmem:s19], [sflag:$0x4] =	stream.linear.gather [hbm4b:s14+s4], $0x58, $0x38;
	[tilespmem:$0x1FD80] =	vst v63  }
0x26: {  	s9 =	rddreg [dreg:$0x7]  }
0x27: {  	[tilespmem:s20], [sflag:$0x5] =	stream.linear.gather [hbm4b:s9+s4], $0x58, $0x38;
	[tilespmem:$0x1FD80] =	vst v63  }
0x28: {  	s10 =	rddreg [dreg:$0x8]  }
0x29: {  	[tilespmem:s21], [sflag:$0x6] =	stream.linear.gather [hbm4b:s10+s4], $0x58, $0x38;
	[tilespmem:$0x1FD80] =	vst v63  }
0x2a: {  	_ =	swait.ge [sflag:s22], $0x58  }
0x2b: {  	[sflag:s22] =	ssyncset.done $0x0  }
0x2c: {  	[sflag:s22] =	ssyncadd.s32 $0xFFFFFFA8  }
0x2d: {  	[tilespmem:s24], [sflag:$0x1] =	stream.indirect.gather [hbm4b:s1+s23], $0x80, s19, s23, $0xb8;
	[tilespmem:$0x1FD80] =	vst v63  }
0x2e: {  	_ =	swait.ge [sflag:s25], $0x58  }
0x2f: {  	[sflag:s25] =	ssyncset.done $0x0  }
0x30: {  	[sflag:s25] =	ssyncadd.s32 $0xFFFFFFA8  }
0x31: {  	[tilespmem:s26], [sflag:$0x2] =	stream.indirect.gather [hbm4b:s1+s23], $0x80, s20, s23, $0xb8;
	[tilespmem:$0x1FD80] =	vst v63  }
0x32: {  	_ =	swait.ge [sflag:s28], $0x58  }
0x33: {  	[sflag:s28] =	ssyncset.done $0x0  }
0x34: {  	[sflag:s28] =	ssyncadd.s32 $0xFFFFFFA8  }
0x35: {  	[tilespmem:s29], [sflag:$0x3] =	stream.indirect.gather [hbm4b:s1+s23], $0x80, s21, s23, $0xb8;
	[tilespmem:$0x1FD80] =	vst v63  }
0x36: {  	_ =	swait.ge [sflag:s30], $0x2C00  }
0x37: {  	s11 =	sshrl.u32 s16, $0x3;
	[sflag:s30] =	ssyncset.done $0x0  }
0x38: {  	s8 =	sadd.s32 s5, s11;
	[sflag:s30] =	ssyncadd.s32 $0xFFFFD400  }
0x39: {  	[tilespmem:s19], [sflag:$0x4] =	stream.linear.gather [hbm4b:s8+s4], $0x58, $0x38;
	[tilespmem:$0x1FD80] =	vst v63  }
0x3a: {  	s12 =	simm.s32 $0x0  }
0x3b: {  	[spmem:s3] =	stream.indirect.scatter.add.f32 [tilespmem:s24], [sflag:$0x7], $0x80, s12, s23, $0xb8;
	[tilespmem:$0x1FD80] =	vst v63  }
0x3c: {  	_ =	swait.ge [sflag:s18], $0x2C00  }
0x3d: {  	[sflag:s18] =	ssyncset.done $0x0  }
0x3e: {  	[sflag:s18] =	ssyncadd.s32 $0xFFFFD400  }
0x3f: {  	_ =	swait.ge [sflag:s22], $0x58  }
0x40: {  	[sflag:s22] =	ssyncset.done $0x0  }
0x41: {  	[sflag:s22] =	ssyncadd.s32 $0xFFFFFFA8  }
0x42: {  	[tilespmem:s24], [sflag:$0x1] =	stream.indirect.gather [hbm4b:s1+s23], $0x80, s19, s23, $0xb8;
	[tilespmem:$0x1FD80] =	vst v63  }
0x43: {  	_ =	swait.ge [sflag:s31], $0x2C00  }
0x44: {  	[sflag:s31] =	ssyncset.done $0x0  }
0x45: {  	[sflag:s31] =	ssyncadd.s32 $0xFFFFD400  }
0x46: {  	[tilespmem:s20], [sflag:$0x5] =	stream.linear.gather [hbm4b:s15+s4], $0x58, $0x38;
	[tilespmem:$0x1FD80] =	vst v63  }
0x47: {  	s13 =	simm.s32 $0x80  }
0x48: {  	[spmem:s3] =	stream.indirect.scatter.add.f32 [tilespmem:s26], [sflag:$0x7], $0x80, s13, s23, $0xb8;
	[tilespmem:$0x1FD80] =	vst v63  }
0x49: {  	_ =	swait.ge [sflag:s18], $0x2C00  }
0x4a: {  	[sflag:s18] =	ssyncset.done $0x0  }
0x4b: {  	[sflag:s18] =	ssyncadd.s32 $0xFFFFD400  }
0x4c: {  	_ =	swait.ge [sflag:s25], $0x58  }
0x4d: {  	[sflag:s25] =	ssyncset.done $0x0  }
0x4e: {  	[sflag:s25] =	ssyncadd.s32 $0xFFFFFFA8  }
0x4f: {  	[tilespmem:s26], [sflag:$0x2] =	stream.indirect.gather [hbm4b:s1+s23], $0x80, s20, s23, $0xb8;
	[tilespmem:$0x1FD80] =	vst v63  }
0x50: {  	_ =	swait.ge [sflag:s2], $0x2C00  }
0x51: {  	[sflag:s2] =	ssyncset.done $0x0  }
0x52: {  	[sflag:s2] =	ssyncadd.s32 $0xFFFFD400  }
0x53: {  	[tilespmem:s21], [sflag:$0x6] =	stream.linear.gather [hbm4b:s6+s4], $0x58, $0x38;
	[tilespmem:$0x1FD80] =	vst v63  }
0x54: {  	s14 =	simm.s32 $0x100  }
0x55: {  	[spmem:s3] =	stream.indirect.scatter.add.f32 [tilespmem:s29], [sflag:$0x7], $0x80, s14, s23, $0xb8;
	[tilespmem:$0x1FD80] =	vst v63  }
0x56: {  	_ =	swait.ge [sflag:s18], $0x2C00  }
0x57: {  	[sflag:s18] =	ssyncset.done $0x0  }
0x58: {  	[sflag:s18] =	ssyncadd.s32 $0xFFFFD400  }
0x59: {  	_ =	swait.ge [sflag:s28], $0x58  }
0x5a: {  	[sflag:s28] =	ssyncset.done $0x0  }
0x5b: {  	s11 =	simm.s32 $0xC00;
	s10 =	simm.s32 $0x600;
	[sflag:s28] =	ssyncadd.s32 $0xFFFFFFA8  }
0x5c: {  	[tilespmem:s29], [sflag:$0x3] =	stream.indirect.gather [hbm4b:s1+s23], $0x80, s21, s23, $0xb8;
	[tilespmem:$0x1FD80] =	vst v63  }
0x5d: {  	s8 =	sadd.s32 $0x21, s15;
	s12 =	sadd.s32 $0x108, s16;
	_ =	swait.ge [sflag:s30], $0x2C00  }
0x5e: {  	s9 =	sshrl.u32 s12, $0x3;
	s14 =	smov.u32 s6;
	[sflag:s30] =	ssyncset.done $0x0  }
.LBB2_2:
0x5f: {  	s9 =	sadd.s32 s5, s9  }
0x60: {  	[sflag:s30] =	ssyncadd.s32 $0xFFFFD400;
	s14 =	sadd.s32 $0x21, s14;
	s13 =	smov.u32 s11  }
0x61: {  	[tilespmem:s19], [sflag:$0x4] =	stream.linear.gather [hbm4b:s9+s4], $0x58, $0x38;
	[tilespmem:$0x1FD80] =	vst v63  }
0x62: {  	p0 =	sne.s32 s11, $0xD800;
	s11 =	sadd.s32 $0x600, s11;
	s9 =	sshra.s32 s10, $0x2  }
0x63: {  	[spmem:s3] =	stream.indirect.scatter.add.f32 [tilespmem:s24], [sflag:$0x7], $0x80, s9, s23, $0xb8;
	[tilespmem:$0x1FD80] =	vst v63  }
0x64: {  	s10 =	smov.u32 s13;
	_ =	swait.ge [sflag:s18], $0x2C00  }
0x65: {  	[sflag:s18] =	ssyncset.done $0x0  }
0x66: {  	[sflag:s18] =	ssyncadd.s32 $0xFFFFD400  }
0x67: {  	_ =	swait.ge [sflag:s22], $0x58  }
0x68: {  	[sflag:s22] =	ssyncset.done $0x0  }
0x69: {  	[sflag:s22] =	ssyncadd.s32 $0xFFFFFFA8  }
0x6a: {  	[tilespmem:s24], [sflag:$0x1] =	stream.indirect.gather [hbm4b:s1+s23], $0x80, s19, s23, $0xb8;
	[tilespmem:$0x1FD80] =	vst v63  }
0x6b: {  	_ =	swait.ge [sflag:s31], $0x2C00  }
0x6c: {  	[sflag:s31] =	ssyncset.done $0x0  }
0x6d: {  	[sflag:s31] =	ssyncadd.s32 $0xFFFFD400  }
0x6e: {  	[tilespmem:s20], [sflag:$0x5] =	stream.linear.gather [hbm4b:s8+s4], $0x58, $0x38;
	[tilespmem:$0x1FD80] =	vst v63  }
0x6f: {  	s13 =	sadd.s32 $0x80, s9  }
0x70: {  	[spmem:s3] =	stream.indirect.scatter.add.f32 [tilespmem:s26], [sflag:$0x7], $0x80, s13, s23, $0xb8;
	[tilespmem:$0x1FD80] =	vst v63  }
0x71: {  	_ =	swait.ge [sflag:s18], $0x2C00  }
0x72: {  	[sflag:s18] =	ssyncset.done $0x0  }
0x73: {  	[sflag:s18] =	ssyncadd.s32 $0xFFFFD400  }
0x74: {  	_ =	swait.ge [sflag:s25], $0x58  }
0x75: {  	[sflag:s25] =	ssyncset.done $0x0  }
0x76: {  	[sflag:s25] =	ssyncadd.s32 $0xFFFFFFA8  }
0x77: {  	[tilespmem:s26], [sflag:$0x2] =	stream.indirect.gather [hbm4b:s1+s23], $0x80, s20, s23, $0xb8;
	[tilespmem:$0x1FD80] =	vst v63  }
0x78: {  	_ =	swait.ge [sflag:s2], $0x2C00  }
0x79: {  	[sflag:s2] =	ssyncset.done $0x0  }
0x7a: {  	[sflag:s2] =	ssyncadd.s32 $0xFFFFD400  }
0x7b: {  	[tilespmem:s21], [sflag:$0x6] =	stream.linear.gather [hbm4b:s14+s4], $0x58, $0x38;
	[tilespmem:$0x1FD80] =	vst v63  }
0x7c: {  	s9 =	sadd.s32 $0x100, s9  }
0x7d: {  	[spmem:s3] =	stream.indirect.scatter.add.f32 [tilespmem:s29], [sflag:$0x7], $0x80, s9, s23, $0xb8;
	[tilespmem:$0x1FD80] =	vst v63  }
0x7e: {  	_ =	swait.ge [sflag:s18], $0x2C00  }
0x7f: {  	[sflag:s18] =	ssyncset.done $0x0  }
0x80: {  	[sflag:s18] =	ssyncadd.s32 $0xFFFFD400  }
0x81: {  	_ =	swait.ge [sflag:s28], $0x58  }
.Ltmp0:
0x82: {  	[sflag:s28] =	ssyncset.done $0x0;
	(pc) =	sbr.rel @p0 .LBB2_2-.Ltmp0, $4  }
0x83: {  	[sflag:s28] =	ssyncadd.s32 $0xFFFFFFA8  }
0x84: {  	[tilespmem:s29], [sflag:$0x3] =	stream.indirect.gather [hbm4b:s1+s23], $0x80, s21, s23, $0xb8;
	[tilespmem:$0x1FD80] =	vst v63  }
0x85: {  	s12 =	sadd.s32 $0x108, s12;
	_ =	swait.ge [sflag:s30], $0x2C00  }
0x86: {  	s8 =	sadd.s32 $0x21, s8;
	s9 =	sshrl.u32 s12, $0x3;
	[sflag:s30] =	ssyncset.done $0x0  }
0x87: {  	s9 =	sadd.s32 s5, s9;
	[sflag:s30] =	ssyncadd.s32 $0xFFFFD400  }
0x88: {  	[tilespmem:s19], [sflag:$0x4] =	stream.linear.gather [hbm4b:s9+s4], $0x58, $0x38;
	[tilespmem:$0x1FD80] =	vst v63  }
0x89: {  	s12 =	sshra.s32 s10, $0x2  }
0x8a: {  	[spmem:s3] =	stream.indirect.scatter.add.f32 [tilespmem:s24], [sflag:$0x7], $0x80, s12, s23, $0xb8;
	[tilespmem:$0x1FD80] =	vst v63  }
0x8b: {  	_ =	swait.ge [sflag:s18], $0x2C00  }
0x8c: {  	[sflag:s18] =	ssyncset.done $0x0  }
0x8d: {  	[sflag:s18] =	ssyncadd.s32 $0xFFFFD400  }
0x8e: {  	_ =	swait.ge [sflag:s22], $0x58  }
0x8f: {  	[sflag:s22] =	ssyncset.done $0x0  }
0x90: {  	[sflag:s22] =	ssyncadd.s32 $0xFFFFFFA8  }
0x91: {  	[tilespmem:s24], [sflag:$0x1] =	stream.indirect.gather [hbm4b:s1+s23], $0x80, s19, s23, $0xb8;
	[tilespmem:$0x1FD80] =	vst v63  }
0x92: {  	_ =	swait.ge [sflag:s31], $0x2C00  }
0x93: {  	[sflag:s31] =	ssyncset.done $0x0  }
0x94: {  	[sflag:s31] =	ssyncadd.s32 $0xFFFFD400  }
0x95: {  	[tilespmem:s20], [sflag:$0x5] =	stream.linear.gather [hbm4b:s8+s4], $0x58, $0x38;
	[tilespmem:$0x1FD80] =	vst v63  }
0x96: {  	s13 =	sadd.s32 $0x80, s12  }
0x97: {  	[spmem:s3] =	stream.indirect.scatter.add.f32 [tilespmem:s26], [sflag:$0x7], $0x80, s13, s23, $0xb8;
	[tilespmem:$0x1FD80] =	vst v63  }
0x98: {  	_ =	swait.ge [sflag:s18], $0x2C00  }
0x99: {  	[sflag:s18] =	ssyncset.done $0x0  }
0x9a: {  	[sflag:s18] =	ssyncadd.s32 $0xFFFFD400  }
0x9b: {  	_ =	swait.ge [sflag:s25], $0x58  }
0x9c: {  	[sflag:s25] =	ssyncset.done $0x0  }
0x9d: {  	[sflag:s25] =	ssyncadd.s32 $0xFFFFFFA8  }
0x9e: {  	[tilespmem:s26], [sflag:$0x2] =	stream.indirect.gather [hbm4b:s1+s23], $0x80, s20, s23, $0xb8;
	[tilespmem:$0x1FD80] =	vst v63  }
0x9f: {  	_ =	swait.ge [sflag:s2], $0x2C00  }
0xa0: {  	[sflag:s2] =	ssyncset.done $0x0  }
0xa1: {  	s14 =	sadd.s32 $0x21, s14;
	[sflag:s2] =	ssyncadd.s32 $0xFFFFD400  }
0xa2: {  	[tilespmem:s21], [sflag:$0x6] =	stream.linear.gather [hbm4b:s14+s4], $0x58, $0x38;
	[tilespmem:$0x1FD80] =	vst v63  }
0xa3: {  	s9 =	sadd.s32 $0x100, s12  }
0xa4: {  	[spmem:s3] =	stream.indirect.scatter.add.f32 [tilespmem:s29], [sflag:$0x7], $0x80, s9, s23, $0xb8;
	[tilespmem:$0x1FD80] =	vst v63  }
0xa5: {  	_ =	swait.ge [sflag:s18], $0x2C00  }
0xa6: {  	[sflag:s18] =	ssyncset.done $0x0  }
0xa7: {  	[sflag:s18] =	ssyncadd.s32 $0xFFFFD400  }
0xa8: {  	_ =	swait.ge [sflag:s28], $0x58  }
0xa9: {  	[sflag:s28] =	ssyncset.done $0x0  }
0xaa: {  	[sflag:s28] =	ssyncadd.s32 $0xFFFFFFA8  }
0xab: {  	[tilespmem:s29], [sflag:$0x3] =	stream.indirect.gather [hbm4b:s1+s23], $0x80, s21, s23, $0xb8;
	[tilespmem:$0x1FD80] =	vst v63  }
0xac: {  	_ =	swait.ge [sflag:s30], $0x2C00  }
0xad: {  	[sflag:s30] =	ssyncset.done $0x0  }
0xae: {  	s10 =	simm.s32 $0x3780;
	[sflag:s30] =	ssyncadd.s32 $0xFFFFD400  }
0xaf: {  	[spmem:s3] =	stream.indirect.scatter.add.f32 [tilespmem:s24], [sflag:$0x7], $0x80, s10, s23, $0xb8;
	[tilespmem:$0x1FD80] =	vst v63  }
0xb0: {  	_ =	swait.ge [sflag:s18], $0x2C00  }
0xb1: {  	[sflag:s18] =	ssyncset.done $0x0  }
0xb2: {  	[sflag:s18] =	ssyncadd.s32 $0xFFFFD400  }
0xb3: {  	_ =	swait.ge [sflag:s31], $0x2C00  }
0xb4: {  	[sflag:s31] =	ssyncset.done $0x0  }
0xb5: {  	s11 =	simm.s32 $0x3800;
	[sflag:s31] =	ssyncadd.s32 $0xFFFFD400  }
0xb6: {  	[spmem:s3] =	stream.indirect.scatter.add.f32 [tilespmem:s26], [sflag:$0x7], $0x80, s11, s23, $0xb8;
	[tilespmem:$0x1FD80] =	vst v63  }
0xb7: {  	_ =	swait.ge [sflag:s18], $0x2C00  }
0xb8: {  	[sflag:s18] =	ssyncset.done $0x0  }
0xb9: {  	[sflag:s18] =	ssyncadd.s32 $0xFFFFD400  }
0xba: {  	_ =	swait.ge [sflag:s2], $0x2C00  }
0xbb: {  	[sflag:s2] =	ssyncset.done $0x0  }
0xbc: {  	s12 =	simm.s32 $0x3880;
	[sflag:s2] =	ssyncadd.s32 $0xFFFFD400  }
0xbd: {  	[spmem:s3] =	stream.indirect.scatter.add.f32 [tilespmem:s29], [sflag:$0x7], $0x80, s12, s23, $0xb8;
	[tilespmem:$0x1FD80] =	vst v63  }
0xbe: {  	_ =	swait.ge [sflag:s18], $0x2C00  }
0xbf: {  	[sflag:s18] =	ssyncset.done $0x0  }
0xc0: {  	[sflag:s18] =	ssyncadd.s32 $0xFFFFD400  }
0xc1: {  	[bflag:$0x0] =	sbarrier.arrive $0xFFFF  }
0xc2: {  	s13 =	rddreg [dreg:$0x9]  }
0xc3: {  	[hbm:s13], [sflag:s7] =	dma.local [spmem:s17], $0x2780  }
0xc4: {  	_ =	swait.ge [sflag:s18], $0x2780  }
0xc5: {  	s0 =	sadd.s32 $0x1, s0;
	s14 =	rddreg [dreg:$0xa]  }
0xc6: {  	p0 =	sne.s32 s0, s14  }
.Ltmp1:
0xc7: {  	_ = 	snop;
	(pc) =	sbr.rel @p0 .LBB2_1-.Ltmp1, $3  }
0xc8: {  	_ =	sdelay $0x1  }
0xc9: {  	[sflag:s18] =	ssyncset.done $0x0  }
0xca: {  	[sflag:s18] =	ssyncadd.s32 $0xFFFFD880  }
0xcb: {  	_ =	sfence.sel $0x180000  }
0xcc: {  	[bflag:$0x0] =	sbarrier.arrive $0xFFFF  }
0xcd: {  	_ =	strace $0x9000004A  }
0xce: {  	s0 =	stileid.u32;
	[bflag:$0x2] =	sbarrier.arrive $0xFFFF  }
0xcf: {  	p0 =	sne.s32 s0, $0x0;
	s0 =	rddreg [dreg:$0x3]  }
0xd0: {  	s0 =	sadd.s32 @!p0 $0x100000, s0  }
0xd1: {  	[sflag:s0] =	ssyncadd.tile.s32 @!p0 $0x1;
	_ =	shalt  }
.Lfunc_end2:
_tile_overlayer_lowered:
.L_overlay_start_2:
0xd2: {  	(tag) =	ssettag $0x2  }
0xd3: {  	s0 =	rddreg [dreg:$0x0];
	s2 =	stileid.u32  }
0xd4: {  	s1 =	rddreg [dreg:$0x1];
	p0 =	sne.s32 s2, $0x0  }
0xd5: {  	s3 =	rddreg [dreg:$0x2];
	[bflag:$0x3] =	sbarrier.arrive $0xFFFF;
	s2 =	simm.s32 @!p0 $0x1C07  }
0xd6: {  	[timem:s3], [sflag:s2] =	dma.local @!p0 [hbm:s0], s1  }
0xd7: {  	s0 =	simm.s32 @!p0 $0x7  }
0xd8: {  	_ =	swait.ge @!p0 [sflag:s0], s1  }
0xd9: {  	s1 =	ssub.s32 @!p0 $0x0, s1;
	[sflag:s0] =	ssyncset.done @!p0 $0x0  }
0xda: {  	[sflag:s0] =	ssyncadd.s32 @!p0 s1  }
0xdb: {  	[bflag:$0x3] =	sbarrier.arrive $0xFFFF  }
0xdc: {  	_ =	shalt  }

// kernel: kernel.14.cloned.1.call-start
scs
__scs_entry_jumppad:
0x0: {  	(pc) =	sbr.rel $0x88, $3  }
0x1: {  	(tag) =	ssettag $0x0;
	lr =	simm.s32 $0x1  }
0x2: {  	[smem:$0x3F9B] =	sst lr;
	_ =	strace $0xD0000000  }
0x3: {  	_ = 	snop  }
0x4: {  	_ = 	snop  }
0x5: {  	_ = 	snop  }
0x6: {  	_ = 	snop  }
0x7: {  	_ = 	snop  }
__scs_overlays_trampoline_lowered:
0x8: {  	[smem:$0x3FAA] =	sst s0  }
0x9: {  	[smem:$0x3FAB] =	sst s1  }
0xa: {  	[smem:$0x3FAC] =	sst s2  }
0xb: {  	[smem:$0x3FAD] =	sst s3  }
0xc: {  	[smem:$0x3FAE] =	sst s4  }
0xd: {  	[smem:$0x3FAF] =	sst s5  }
0xe: {  	[smem:$0x3FB0] =	sst s6  }
0xf: {  	[smem:$0x3FB1] =	sst s7  }
0x10: {  	[smem:$0x3FB2] =	sst s8  }
0x11: {  	[smem:$0x3FB3] =	sst s9;
	s0 =	simm.s32 @!p0 $0x0  }
0x12: {  	s1 =	sld [smem:$0x3F99];
	s0 =	simm.s32 @p0 $0x1  }
0x13: {  	[smem:$0x3FB4] =	sst s0;
	s0 =	simm.s32 @!p1 $0x0  }
0x14: {  	s2 =	sld [smem:$0x3F98];
	s0 =	simm.s32 @p1 $0x1  }
0x15: {  	[smem:$0x3FB5] =	sst s0;
	s0 =	simm.s32 @!p2 $0x0  }
0x16: {  	s3 =	sld [smem:$0x3FDB];
	s0 =	simm.s32 @p2 $0x1  }
0x17: {  	s4 =	simm.s32 $0x1BF5;
	[smem:$0x3FB7] =	sst s0  }
0x18: {  	s0 =	sld [smem:$0x3F9A];
	_ =	swait.ge [sflag:s4], $0x0  }
0x19: {  	s7 =	sld [smem:$0x3F9B]  }
0x1a: {  	s8 =	sadd.s32 $0xFFFFE003, lr  }
0x1b: {  	s9 =	sadd.s32 $0xFFFFFEF7, lr;
	s5 =	simm.s32 $0xFFFFFFFF;
	p2 =	slt.u32 s8, $0xFFFFF086  }
0x1c: {  	p1 =	slt.u32 s9, $0xF7A;
	s5 =	simm.s32 @!p2 $0x0  }
0x1d: {  	s5 =	simm.s32 @p1 $0x1;
	p0 =	seq.s32 s7, s2  }
0x1e: {  	s7 =	smul.u32 @!p0 $0xF7A, s2;
	p2 =	seq.s32 @!p0 s5, $0x0  }
0x1f: {  	s9 =	smul.u32 $0xF7A, s1;
	s8 =	simm.s32 @!p0 $0x1BF5;
	p2 =	por !p2, p0  }
0x20: {  	[sflag:s8] =	ssyncset.s32 @!p0 $0xFFFFF086;
	s6 =	sadd.s32 @!p0 s3, s7;
	s7 =	simm.s32 @!p0 $0x108  }
0x21: {  	s3 =	sadd.s32 s3, s9;
	s6 =	sadd.s32 @!p0 $0x88, s6;
	s7 =	simm.s32 @p2 $0x1082  }
0x22: {  	[simem:s7], [sflag:s8] =	dma.local @!p0 [hbm:s6], $0xF7A  }
0x23: {  	s9 =	sor.u32 $0xD0000000, s2;
	s6 =	simm.s32 $0x108;
	_ =	swait.ge @!p0 [sflag:s8], $0x0  }
0x24: {  	s3 =	sadd.s32 $0x88, s3;
	s6 =	simm.s32 @!p1 $0x1082;
	[sflag:s4] =	ssyncset.s32 $0xFFFFF086  }
0x25: {  	[simem:s6], [sflag:s4] =	dma.local [hbm:s3], $0xF7A  }
0x26: {  	[smem:$0x3F9B] =	sst s1;
	(tag) =	ssettag s2;
	_ =	strace s9  }
0x27: {  	s1 =	sld [smem:$0x3FAB]  }
0x28: {  	s2 =	sld [smem:$0x3FAC]  }
0x29: {  	s4 =	sld [smem:$0x3FAE]  }
0x2a: {  	p0 =	seq.s32 s5, $0x0;
	s5 =	sld [smem:$0x3FAF]  }
0x2b: {  	s6 =	sld [smem:$0x3FB0]  }
0x2c: {  	s7 =	sld [smem:$0x3FB1]  }
0x2d: {  	s3 =	simm.s32 $0x108;
	s8 =	sld [smem:$0x3FB2]  }
0x2e: {  	s3 =	simm.s32 @!p0 $0x1082;
	s9 =	sld [smem:$0x3FB3]  }
0x2f: {  	lr =	sadd.s32 s0, s3;
	s0 =	sld [smem:$0x3FAA]  }
0x30: {  	s3 =	sld [smem:$0x3FAD]  }
0x31: {  	[smem:$0x3FB6] =	sst s10  }
0x32: {  	s10 =	sld [smem:$0x3FB4];
	_ =	sdelay $0x3  }
0x33: {  	p0 =	seq.s32 s10, $0x1;
	s10 =	sld [smem:$0x3FB6];
	_ =	sdelay $0x3  }
0x34: {  	[smem:$0x3FB6] =	sst s10  }
0x35: {  	s10 =	sld [smem:$0x3FB5];
	_ =	sdelay $0x3  }
0x36: {  	p1 =	seq.s32 s10, $0x1;
	s10 =	sld [smem:$0x3FB6];
	_ =	sdelay $0x3  }
0x37: {  	[smem:$0x3FB6] =	sst s10  }
0x38: {  	s10 =	sld [smem:$0x3FB7]  }
0x39: {  	_ = 	snop;
	(pc) =	sbr.ind lr, $3  }
0x3a: {  	_ = 	snop  }
0x3b: {  	_ = 	snop  }
0x3c: {  	p2 =	seq.s32 s10, $0x1;
	s10 =	sld [smem:$0x3FB6]  }
0x3d: {  	_ =	shalt  }
0x3e: {  	_ =	shalt  }
0x3f: {  	_ =	shalt  }
0x40: {  	_ =	shalt  }
0x41: {  	_ =	shalt  }
0x42: {  	_ =	shalt  }
0x43: {  	_ =	shalt  }
0x44: {  	_ =	shalt  }
0x45: {  	_ =	shalt  }
0x46: {  	_ =	shalt  }
0x47: {  	_ =	shalt  }
0x48: {  	_ =	shalt  }
0x49: {  	_ =	shalt  }
0x4a: {  	_ =	shalt  }
0x4b: {  	_ =	shalt  }
0x4c: {  	_ =	shalt  }
0x4d: {  	_ =	shalt  }
0x4e: {  	_ =	shalt  }
0x4f: {  	_ =	shalt  }
0x50: {  	_ =	shalt  }
0x51: {  	_ =	shalt  }
0x52: {  	_ =	shalt  }
0x53: {  	_ =	shalt  }
0x54: {  	_ =	shalt  }
0x55: {  	_ =	shalt  }
0x56: {  	_ =	shalt  }
0x57: {  	_ =	shalt  }
0x58: {  	_ =	shalt  }
0x59: {  	_ =	shalt  }
0x5a: {  	_ =	shalt  }
0x5b: {  	_ =	shalt  }
0x5c: {  	_ =	shalt  }
0x5d: {  	_ =	shalt  }
0x5e: {  	_ =	shalt  }
0x5f: {  	_ =	shalt  }
0x60: {  	_ =	shalt  }
0x61: {  	_ =	shalt  }
0x62: {  	_ =	shalt  }
0x63: {  	_ =	shalt  }
0x64: {  	_ =	shalt  }
0x65: {  	_ =	shalt  }
0x66: {  	_ =	shalt  }
0x67: {  	_ =	shalt  }
0x68: {  	_ =	shalt  }
0x69: {  	_ =	shalt  }
0x6a: {  	_ =	shalt  }
0x6b: {  	_ =	shalt  }
0x6c: {  	_ =	shalt  }
0x6d: {  	_ =	shalt  }
0x6e: {  	_ =	shalt  }
0x6f: {  	_ =	shalt  }
0x70: {  	_ =	shalt  }
0x71: {  	_ =	shalt  }
0x72: {  	_ =	shalt  }
0x73: {  	_ =	shalt  }
0x74: {  	_ =	shalt  }
0x75: {  	_ =	shalt  }
0x76: {  	_ =	shalt  }
0x77: {  	_ =	shalt  }
0x78: {  	_ =	shalt  }
0x79: {  	_ =	shalt  }
0x7a: {  	_ =	shalt  }
0x7b: {  	_ =	shalt  }
0x7c: {  	_ =	shalt  }
0x7d: {  	_ =	shalt  }
0x7e: {  	_ =	shalt  }
0x7f: {  	_ =	shalt  }
0x80: {  	_ =	shalt  }
0x81: {  	_ =	shalt  }
0x82: {  	_ =	shalt  }
0x83: {  	_ =	shalt  }
0x84: {  	_ =	shalt  }
0x85: {  	_ =	shalt  }
0x86: {  	_ =	shalt  }
0x87: {  	_ =	shalt  }
.Lfunc_end0:
.L_simem_size_0:
called_computation.2_lowered:
.L_overlay_start_0:
0x88: {  	s2 =	sld [smem:$0x3FD9]  }
0x89: {  	s3 =	sld [smem:$0x3FFE];
	_ =	sdelay $0x1  }
0x8a: {  	s1 =	srdreg.scid  }
0x8b: {  	s0 =	sand.u32 $0x1, s1  }
0x8c: {  	s17 =	sshll.u32 s0, $0xA;
	s2 =	sadd.s32 s3, s2  }
0x8d: {  	s2 =	sadd.s32 s2, s17  }
0x8e: {  	[smem:$0x3FC2] =	sst s2  }
0x8f: {  	_ = 	snop  }
0x90: {  	s2 =	sld [smem:$0x3FD0];
	(tm) =	ssettm $0x1  }
0x91: {  	s18 =	sld [smem:$0x3FFB];
	_ =	sdelay $0x3  }
0x92: {  	_ =	strace s18  }
0x93: {  	s3 =	sld [smem:$0x3FFC];
	_ =	sdelay $0x3  }
0x94: {  	_ =	strace s3  }
0x95: {  	s3 =	sld [smem:$0x3FFD];
	_ =	sdelay $0x3  }
0x96: {  	_ =	strace s3  }
0x97: {  	_ =	strace $0x8FFFFFFF  }
0x98: {  	s19 =	sld [smem:$0x3FDB];
	_ =	sdelay $0x1  }
0x99: {  	s4 =	simm.s32 $_scs_section_size  }
0x9a: {  	s5 =	simm.s32 $_size__tile_overlayer_lowered;
	s6 =	simm.s32 $_tile_overlayer_lowered  }
0x9b: {  	s22 =	simm.s32 $0x1BFF;
	s21 =	sshll.u32 s6, $0x1;
	s3 =	sadd.s32 s4, s19  }
0x9c: {  	s7 =	simm.s32 $0x0;
	s20 =	sshll.u32 s5, $0x1;
	s5 =	sadd.s32 s21, s3  }
0x9d: {  	[timem:s7], [sflag:s22] =	dma.local [hbm:s5], s20  }
0x9e: {  	_ =	swait.ge [sflag:s22], s20  }
0x9f: {  	s4 =	ssub.s32 $0x0, s20;
	[sflag:s22] =	ssyncset.done $0x0  }
0xa0: {  	[sflag:s22] =	ssyncadd.s32 s4;
	_ =	sdelay $0x1  }
0xa1: {  	s23 =	simm.s32 $0x1B8B  }
0xa2: {  	_ =	swait.ge [sflag:s23], $0x1  }
0xa3: {  	[sflag:s23] =	ssyncset.done $0x0  }
0xa4: {  	s25 =	simm.s32 $0x1B8E;
	s24 =	sld [smem:$0x3FFE];
	[sflag:s23] =	ssyncadd.s32 $0xFFFFFFFF  }
0xa5: {  	s26 =	simm.s32 $execute0_lowered;
	[smem:$0x3FD2] =	sst s25  }
0xa6: {  	s5 =	sshll.u32 s26, $0x1;
	_ =	strace $0x8000004C;
	[dreg:$0x1] =	wrdreg $0xFFFFFFFF  }
0xa7: {  	s28 =	simm.s32 $_size_execute0_lowered;
	s3 =	sadd.s32 s3, s5;
	[dreg:$0x0] =	wrdreg $0x0  }
0xa8: {  	s5 =	sshll.u32 s28, $0x1;
	[dreg:$0x2] =	wrdreg s3  }
0xa9: {  	[dreg:$0x3] =	wrdreg s5  }
0xaa: {  	[dreg:$0x4] =	wrdreg $0xC0  }
0xab: {  	_ =	task [dreg:s7], $0x5FFFF  }
0xac: {  	[dreg:$0x1] =	wrdreg $0xFFFFFFFF  }
0xad: {  	[dreg:$0x0] =	wrdreg $0x60  }
0xae: {  	[dreg:$0x2] =	wrdreg s2  }
0xaf: {  	[dreg:$0x3] =	wrdreg s24  }
0xb0: {  	[dreg:$0x4] =	wrdreg $0xC1800  }
0xb1: {  	[dreg:$0x5] =	wrdreg $0x9  }
0xb2: {  	_ =	task.clear_ibuf [dreg:s7], $0x6FFFF;
	_ =	strace $0x9000004C  }
0xb3: {  	s29 =	simm.s32 $0x9;
	_ =	strace $0x8000004E  }
0xb4: {  	_ =	swait.ge [sflag:s29], $0x1  }
0xb5: {  	[sflag:s29] =	ssyncadd.s32 $0xFFFFFFFF  }
0xb6: {  	_ =	strace $0x9000004E  }
0xb7: {  	_ =	sfence  }
0xb8: {  	s30 =	sld [smem:$0x0];
	_ =	sdelay $0x2  }
0xb9: {  	s31 =	sshll.u32 s1, $0xD;
	s1 =	sshrl.u32 s1, $0x2  }
0xba: {  	s3 =	sand.u32 $0x4000, s31;
	s1 =	sadd.s32 s1, s30  }
0xbb: {  	s0 =	sor.u32 s3, s0;
	s1 =	sshll.u32 s1, $0x11  }
0xbc: {  	s0 =	sor.u32 s1, s0  }
0xbd: {  	s0 =	sadd.s32 $0x8F2B, s0  }
0xbe: {  	[sflag:s0] =	ssyncadd.remote.s32 $0x1  }
0xbf: {  	_ =	sfence.sel $0xFFFF  }
0xc0: {  	[dreg:$0x0] =	wrdreg $0xFFFFFFFF;
	(pc) =	sbr.abs _section_cstart, $3  }
0xc1: {  	[dreg:$0x1] =	wrdreg $0xFFFFFFFF  }
0xc2: {  	_ =	task.clear_ibuf [dreg:s7], $0x2FFFF;
	_ =	strace $0x9FFFFFFF  }
0xc3: {  	(tm) =	ssettm $0x7FFFFFFF  }
tec
execute0_lowered:
.L_overlay_start_1:
0x0: {  	(tag) =	ssettag $0x1  }
0x1: {  	s0 =	srdreg.scid;
	s1 =	rddreg [dreg:$0x0]  }
0x2: {  	s12 =	stileid.u32;
	s6 =	rddreg [dreg:$0x1]  }
0x3: {  	s3 =	rddreg [dreg:$0x2];
	s4 =	simm.s32 $0x0;
	s28 =	simm.s32 $0x6  }
0x4: {  	s29 =	simm.s32 $0x9580;
	s30 =	simm.s32 $0x1;
	s8 =	smul.u32 $0x13C00, s12  }
0x5: {  	s31 =	simm.s32 $0x2;
	s0 =	sand.u32 $0x1, s0;
	s11 =	smul.u32 $0x4F000, s12  }
0x6: {  	s2 =	sshll.u32 s12, $0x1;
	s20 =	sshll.u32 s12, $0x6;
	s12 =	smul.u32 $0x4E60, s12  }
0x7: {  	[smem:$0x7FF] =	sst s4;
	s5 =	sadd.s32 $0x13400, s6;
	s9 =	smul.u32 $0x13C000, s0  }
0x8: {  	s2 =	sor.u32 s0, s2;
	s17 =	ssub.s32 $0x2, s0;
	s0 =	smul.u32 $0x2730, s0  }
0x9: {  	_ =	strace $0x8000004D;
	s7 =	smul.u32 $0x780, s2;
	s16 =	sshrl.u32 s8, $0x3  }
0xa: {  	s18 =	sshrl.u32 s17, $0x1;
	s2 =	smul.u32 $0x2730, s2;
	s19 =	sshrl.u32 s11, $0x2  }
0xb: {  	s8 =	sadd.s32 s8, s9;
	s9 =	sadd.s32 s19, s3;
	s0 =	sadd.s32 s0, s12  }
0xc: {  	s19 =	simm.s32 $0x3C00;
	s10 =	sadd.s32 s7, s6;
	s8 =	sshrl.u32 s8, $0x3  }
0xd: {  	s7 =	sadd.s32 s16, s6;
	s21 =	sshrl.u32 s2, $0x3;
	s2 =	sadd.s32 $0x58, s2  }
0xe: {  	s23 =	sadd.s32 $0x1B8, s0;
	s24 =	sadd.s32 $0x160, s0;
	s16 =	sadd.s32 $0x108, s0  }
0xf: {  	s0 =	simm.s32 $0x0;
	s6 =	sadd.s32 s8, s6;
	s8 =	ssub.s32 s17, s18  }
0x10: {  	s7 =	sadd.s32 $0x44400, s7;
	s10 =	sadd.s32 $0x4400, s10;
	s2 =	sshrl.u32 s2, $0x3  }
0x11: {  	s26 =	sshrl.u32 s24, $0x3;
	s17 =	sshrl.u32 s9, $0x3;
	s18 =	simm.s32 $0x7  }
0x12: {  	s24 =	simm.s32 $0x3D80;
	[dreg:$0x4] =	wrdreg s7;
	s7 =	sor.u32 $0x1C07, s20  }
0x13: {  	[dreg:$0x5] =	wrdreg s10;
	s10 =	sadd.s32 s5, s21;
	s2 =	sadd.s32 s5, s2  }
0x14: {  	s6 =	sadd.s32 $0x6BC00, s6;
	s25 =	smax.u32 s8, $0x1;
	[dreg:$0x7] =	wrdreg s2  }
0x15: {  	s15 =	sadd.s32 s26, s5;
	s20 =	simm.s32 $0x3C80;
	[dreg:$0x6] =	wrdreg s10  }
0x16: {  	s21 =	simm.s32 $0x3D00;
	s26 =	simm.s32 $0x6980;
	[dreg:$0x9] =	wrdreg s6  }
0x17: {  	s22 =	sadd.s32 $0x16, s10;
	s2 =	sshrl.u32 s23, $0x3;
	[dreg:$0xa] =	wrdreg s25  }
0x18: {  	s23 =	simm.s32 $0x58;
	s25 =	simm.s32 $0x5;
	[dreg:$0x8] =	wrdreg s22  }
0x19: {  	s6 =	sadd.s32 s2, s5;
	s22 =	simm.s32 $0x4;
	s2 =	simm.s32 $0x3  }
.LBB2_1:
0x1a: {  	s8 =	rddreg [dreg:$0x4]  }
0x1b: {  	[spmem:s17], [sflag:s7] =	dma.local [hbm:s8], $0x2780  }
0x1c: {  	_ =	swait.ge [sflag:s18], $0x2780  }
0x1d: {  	[sflag:s18] =	ssyncset.done $0x0  }
0x1e: {  	s13 =	rddreg [dreg:$0x5];
	[sflag:s18] =	ssyncadd.s32 $0xFFFFD880  }
0x1f: {  	[tilespmem:s4], [sflag:$0x7] =	stream.linear.gather [hbm4b:s13+s4], $0x3900, $0x38;
	[tilespmem:$0x1FD80] =	vst v63  }
0x20: {  	_ =	swait.ge [sflag:s18], $0x3900  }
0x21: {  	[sflag:s18] =	ssyncset.done $0x0  }
0x22: {  	[sflag:s18] =	ssyncadd.s32 $0xFFFFC700  }
0x23: {  	[bflag:$0x0] =	sbarrier.arrive $0xFFFF  }
0x24: {  	s14 =	rddreg [dreg:$0x6]  }
0x25: {  	[tilespmem:s19], [sflag:$0x4] =	stream.linear.gather [hbm4b:s14+s4], $0x58, $0x38;
	[tilespmem:$0x1FD80] =	vst v63  }
0x26: {  	s9 =	rddreg [dreg:$0x7]  }
0x27: {  	[tilespmem:s20], [sflag:$0x5] =	stream.linear.gather [hbm4b:s9+s4], $0x58, $0x38;
	[tilespmem:$0x1FD80] =	vst v63  }
0x28: {  	s10 =	rddreg [dreg:$0x8]  }
0x29: {  	[tilespmem:s21], [sflag:$0x6] =	stream.linear.gather [hbm4b:s10+s4], $0x58, $0x38;
	[tilespmem:$0x1FD80] =	vst v63  }
0x2a: {  	_ =	swait.ge [sflag:s22], $0x58  }
0x2b: {  	[sflag:s22] =	ssyncset.done $0x0  }
0x2c: {  	[sflag:s22] =	ssyncadd.s32 $0xFFFFFFA8  }
0x2d: {  	[tilespmem:s24], [sflag:$0x1] =	stream.indirect.gather [hbm4b:s1+s23], $0x80, s19, s23, $0xb8;
	[tilespmem:$0x1FD80] =	vst v63  }
0x2e: {  	_ =	swait.ge [sflag:s25], $0x58  }
0x2f: {  	[sflag:s25] =	ssyncset.done $0x0  }
0x30: {  	[sflag:s25] =	ssyncadd.s32 $0xFFFFFFA8  }
0x31: {  	[tilespmem:s26], [sflag:$0x2] =	stream.indirect.gather [hbm4b:s1+s23], $0x80, s20, s23, $0xb8;
	[tilespmem:$0x1FD80] =	vst v63  }
0x32: {  	_ =	swait.ge [sflag:s28], $0x58  }
0x33: {  	[sflag:s28] =	ssyncset.done $0x0  }
0x34: {  	[sflag:s28] =	ssyncadd.s32 $0xFFFFFFA8  }
0x35: {  	[tilespmem:s29], [sflag:$0x3] =	stream.indirect.gather [hbm4b:s1+s23], $0x80, s21, s23, $0xb8;
	[tilespmem:$0x1FD80] =	vst v63  }
0x36: {  	_ =	swait.ge [sflag:s30], $0x2C00  }
0x37: {  	s11 =	sshrl.u32 s16, $0x3;
	[sflag:s30] =	ssyncset.done $0x0  }
0x38: {  	s8 =	sadd.s32 s5, s11;
	[sflag:s30] =	ssyncadd.s32 $0xFFFFD400  }
0x39: {  	[tilespmem:s19], [sflag:$0x4] =	stream.linear.gather [hbm4b:s8+s4], $0x58, $0x38;
	[tilespmem:$0x1FD80] =	vst v63  }
0x3a: {  	s12 =	simm.s32 $0x0  }
0x3b: {  	[spmem:s3] =	stream.indirect.scatter.add.f32 [tilespmem:s24], [sflag:$0x7], $0x80, s12, s23, $0xb8;
	[tilespmem:$0x1FD80] =	vst v63  }
0x3c: {  	_ =	swait.ge [sflag:s18], $0x2C00  }
0x3d: {  	[sflag:s18] =	ssyncset.done $0x0  }
0x3e: {  	[sflag:s18] =	ssyncadd.s32 $0xFFFFD400  }
0x3f: {  	_ =	swait.ge [sflag:s22], $0x58  }
0x40: {  	[sflag:s22] =	ssyncset.done $0x0  }
0x41: {  	[sflag:s22] =	ssyncadd.s32 $0xFFFFFFA8  }
0x42: {  	[tilespmem:s24], [sflag:$0x1] =	stream.indirect.gather [hbm4b:s1+s23], $0x80, s19, s23, $0xb8;
	[tilespmem:$0x1FD80] =	vst v63  }
0x43: {  	_ =	swait.ge [sflag:s31], $0x2C00  }
0x44: {  	[sflag:s31] =	ssyncset.done $0x0  }
0x45: {  	[sflag:s31] =	ssyncadd.s32 $0xFFFFD400  }
0x46: {  	[tilespmem:s20], [sflag:$0x5] =	stream.linear.gather [hbm4b:s15+s4], $0x58, $0x38;
	[tilespmem:$0x1FD80] =	vst v63  }
0x47: {  	s13 =	simm.s32 $0x80  }
0x48: {  	[spmem:s3] =	stream.indirect.scatter.add.f32 [tilespmem:s26], [sflag:$0x7], $0x80, s13, s23, $0xb8;
	[tilespmem:$0x1FD80] =	vst v63  }
0x49: {  	_ =	swait.ge [sflag:s18], $0x2C00  }
0x4a: {  	[sflag:s18] =	ssyncset.done $0x0  }
0x4b: {  	[sflag:s18] =	ssyncadd.s32 $0xFFFFD400  }
0x4c: {  	_ =	swait.ge [sflag:s25], $0x58  }
0x4d: {  	[sflag:s25] =	ssyncset.done $0x0  }
0x4e: {  	[sflag:s25] =	ssyncadd.s32 $0xFFFFFFA8  }
0x4f: {  	[tilespmem:s26], [sflag:$0x2] =	stream.indirect.gather [hbm4b:s1+s23], $0x80, s20, s23, $0xb8;
	[tilespmem:$0x1FD80] =	vst v63  }
0x50: {  	_ =	swait.ge [sflag:s2], $0x2C00  }
0x51: {  	[sflag:s2] =	ssyncset.done $0x0  }
0x52: {  	[sflag:s2] =	ssyncadd.s32 $0xFFFFD400  }
0x53: {  	[tilespmem:s21], [sflag:$0x6] =	stream.linear.gather [hbm4b:s6+s4], $0x58, $0x38;
	[tilespmem:$0x1FD80] =	vst v63  }
0x54: {  	s14 =	simm.s32 $0x100  }
0x55: {  	[spmem:s3] =	stream.indirect.scatter.add.f32 [tilespmem:s29], [sflag:$0x7], $0x80, s14, s23, $0xb8;
	[tilespmem:$0x1FD80] =	vst v63  }
0x56: {  	_ =	swait.ge [sflag:s18], $0x2C00  }
0x57: {  	[sflag:s18] =	ssyncset.done $0x0  }
0x58: {  	[sflag:s18] =	ssyncadd.s32 $0xFFFFD400  }
0x59: {  	_ =	swait.ge [sflag:s28], $0x58  }
0x5a: {  	[sflag:s28] =	ssyncset.done $0x0  }
0x5b: {  	s11 =	simm.s32 $0xC00;
	s10 =	simm.s32 $0x600;
	[sflag:s28] =	ssyncadd.s32 $0xFFFFFFA8  }
0x5c: {  	[tilespmem:s29], [sflag:$0x3] =	stream.indirect.gather [hbm4b:s1+s23], $0x80, s21, s23, $0xb8;
	[tilespmem:$0x1FD80] =	vst v63  }
0x5d: {  	s8 =	sadd.s32 $0x21, s15;
	s12 =	sadd.s32 $0x108, s16;
	_ =	swait.ge [sflag:s30], $0x2C00  }
0x5e: {  	s9 =	sshrl.u32 s12, $0x3;
	s14 =	smov.u32 s6;
	[sflag:s30] =	ssyncset.done $0x0  }
.LBB2_2:
0x5f: {  	s9 =	sadd.s32 s5, s9  }
0x60: {  	[sflag:s30] =	ssyncadd.s32 $0xFFFFD400;
	s14 =	sadd.s32 $0x21, s14;
	s13 =	smov.u32 s11  }
0x61: {  	[tilespmem:s19], [sflag:$0x4] =	stream.linear.gather [hbm4b:s9+s4], $0x58, $0x38;
	[tilespmem:$0x1FD80] =	vst v63  }
0x62: {  	p0 =	sne.s32 s11, $0xD800;
	s11 =	sadd.s32 $0x600, s11;
	s9 =	sshra.s32 s10, $0x2  }
0x63: {  	[spmem:s3] =	stream.indirect.scatter.add.f32 [tilespmem:s24], [sflag:$0x7], $0x80, s9, s23, $0xb8;
	[tilespmem:$0x1FD80] =	vst v63  }
0x64: {  	s10 =	smov.u32 s13;
	_ =	swait.ge [sflag:s18], $0x2C00  }
0x65: {  	[sflag:s18] =	ssyncset.done $0x0  }
0x66: {  	[sflag:s18] =	ssyncadd.s32 $0xFFFFD400  }
0x67: {  	_ =	swait.ge [sflag:s22], $0x58  }
0x68: {  	[sflag:s22] =	ssyncset.done $0x0  }
0x69: {  	[sflag:s22] =	ssyncadd.s32 $0xFFFFFFA8  }
0x6a: {  	[tilespmem:s24], [sflag:$0x1] =	stream.indirect.gather [hbm4b:s1+s23], $0x80, s19, s23, $0xb8;
	[tilespmem:$0x1FD80] =	vst v63  }
0x6b: {  	_ =	swait.ge [sflag:s31], $0x2C00  }
0x6c: {  	[sflag:s31] =	ssyncset.done $0x0  }
0x6d: {  	[sflag:s31] =	ssyncadd.s32 $0xFFFFD400  }
0x6e: {  	[tilespmem:s20], [sflag:$0x5] =	stream.linear.gather [hbm4b:s8+s4], $0x58, $0x38;
	[tilespmem:$0x1FD80] =	vst v63  }
0x6f: {  	s13 =	sadd.s32 $0x80, s9  }
0x70: {  	[spmem:s3] =	stream.indirect.scatter.add.f32 [tilespmem:s26], [sflag:$0x7], $0x80, s13, s23, $0xb8;
	[tilespmem:$0x1FD80] =	vst v63  }
0x71: {  	_ =	swait.ge [sflag:s18], $0x2C00  }
0x72: {  	[sflag:s18] =	ssyncset.done $0x0  }
0x73: {  	[sflag:s18] =	ssyncadd.s32 $0xFFFFD400  }
0x74: {  	_ =	swait.ge [sflag:s25], $0x58  }
0x75: {  	[sflag:s25] =	ssyncset.done $0x0  }
0x76: {  	[sflag:s25] =	ssyncadd.s32 $0xFFFFFFA8  }
0x77: {  	[tilespmem:s26], [sflag:$0x2] =	stream.indirect.gather [hbm4b:s1+s23], $0x80, s20, s23, $0xb8;
	[tilespmem:$0x1FD80] =	vst v63  }
0x78: {  	_ =	swait.ge [sflag:s2], $0x2C00  }
0x79: {  	[sflag:s2] =	ssyncset.done $0x0  }
0x7a: {  	[sflag:s2] =	ssyncadd.s32 $0xFFFFD400  }
0x7b: {  	[tilespmem:s21], [sflag:$0x6] =	stream.linear.gather [hbm4b:s14+s4], $0x58, $0x38;
	[tilespmem:$0x1FD80] =	vst v63  }
0x7c: {  	s9 =	sadd.s32 $0x100, s9  }
0x7d: {  	[spmem:s3] =	stream.indirect.scatter.add.f32 [tilespmem:s29], [sflag:$0x7], $0x80, s9, s23, $0xb8;
	[tilespmem:$0x1FD80] =	vst v63  }
0x7e: {  	_ =	swait.ge [sflag:s18], $0x2C00  }
0x7f: {  	[sflag:s18] =	ssyncset.done $0x0  }
0x80: {  	[sflag:s18] =	ssyncadd.s32 $0xFFFFD400  }
0x81: {  	_ =	swait.ge [sflag:s28], $0x58  }
.Ltmp0:
0x82: {  	[sflag:s28] =	ssyncset.done $0x0;
	(pc) =	sbr.rel @p0 .LBB2_2-.Ltmp0, $4  }
0x83: {  	[sflag:s28] =	ssyncadd.s32 $0xFFFFFFA8  }
0x84: {  	[tilespmem:s29], [sflag:$0x3] =	stream.indirect.gather [hbm4b:s1+s23], $0x80, s21, s23, $0xb8;
	[tilespmem:$0x1FD80] =	vst v63  }
0x85: {  	s12 =	sadd.s32 $0x108, s12;
	_ =	swait.ge [sflag:s30], $0x2C00  }
0x86: {  	s8 =	sadd.s32 $0x21, s8;
	s9 =	sshrl.u32 s12, $0x3;
	[sflag:s30] =	ssyncset.done $0x0  }
0x87: {  	s9 =	sadd.s32 s5, s9;
	[sflag:s30] =	ssyncadd.s32 $0xFFFFD400  }
0x88: {  	[tilespmem:s19], [sflag:$0x4] =	stream.linear.gather [hbm4b:s9+s4], $0x58, $0x38;
	[tilespmem:$0x1FD80] =	vst v63  }
0x89: {  	s12 =	sshra.s32 s10, $0x2  }
0x8a: {  	[spmem:s3] =	stream.indirect.scatter.add.f32 [tilespmem:s24], [sflag:$0x7], $0x80, s12, s23, $0xb8;
	[tilespmem:$0x1FD80] =	vst v63  }
0x8b: {  	_ =	swait.ge [sflag:s18], $0x2C00  }
0x8c: {  	[sflag:s18] =	ssyncset.done $0x0  }
0x8d: {  	[sflag:s18] =	ssyncadd.s32 $0xFFFFD400  }
0x8e: {  	_ =	swait.ge [sflag:s22], $0x58  }
0x8f: {  	[sflag:s22] =	ssyncset.done $0x0  }
0x90: {  	[sflag:s22] =	ssyncadd.s32 $0xFFFFFFA8  }
0x91: {  	[tilespmem:s24], [sflag:$0x1] =	stream.indirect.gather [hbm4b:s1+s23], $0x80, s19, s23, $0xb8;
	[tilespmem:$0x1FD80] =	vst v63  }
0x92: {  	_ =	swait.ge [sflag:s31], $0x2C00  }
0x93: {  	[sflag:s31] =	ssyncset.done $0x0  }
0x94: {  	[sflag:s31] =	ssyncadd.s32 $0xFFFFD400  }
0x95: {  	[tilespmem:s20], [sflag:$0x5] =	stream.linear.gather [hbm4b:s8+s4], $0x58, $0x38;
	[tilespmem:$0x1FD80] =	vst v63  }
0x96: {  	s13 =	sadd.s32 $0x80, s12  }
0x97: {  	[spmem:s3] =	stream.indirect.scatter.add.f32 [tilespmem:s26], [sflag:$0x7], $0x80, s13, s23, $0xb8;
	[tilespmem:$0x1FD80] =	vst v63  }
0x98: {  	_ =	swait.ge [sflag:s18], $0x2C00  }
0x99: {  	[sflag:s18] =	ssyncset.done $0x0  }
0x9a: {  	[sflag:s18] =	ssyncadd.s32 $0xFFFFD400  }
0x9b: {  	_ =	swait.ge [sflag:s25], $0x58  }
0x9c: {  	[sflag:s25] =	ssyncset.done $0x0  }
0x9d: {  	[sflag:s25] =	ssyncadd.s32 $0xFFFFFFA8  }
0x9e: {  	[tilespmem:s26], [sflag:$0x2] =	stream.indirect.gather [hbm4b:s1+s23], $0x80, s20, s23, $0xb8;
	[tilespmem:$0x1FD80] =	vst v63  }
0x9f: {  	_ =	swait.ge [sflag:s2], $0x2C00  }
0xa0: {  	[sflag:s2] =	ssyncset.done $0x0  }
0xa1: {  	s14 =	sadd.s32 $0x21, s14;
	[sflag:s2] =	ssyncadd.s32 $0xFFFFD400  }
0xa2: {  	[tilespmem:s21], [sflag:$0x6] =	stream.linear.gather [hbm4b:s14+s4], $0x58, $0x38;
	[tilespmem:$0x1FD80] =	vst v63  }
0xa3: {  	s9 =	sadd.s32 $0x100, s12  }
0xa4: {  	[spmem:s3] =	stream.indirect.scatter.add.f32 [tilespmem:s29], [sflag:$0x7], $0x80, s9, s23, $0xb8;
	[tilespmem:$0x1FD80] =	vst v63  }
0xa5: {  	_ =	swait.ge [sflag:s18], $0x2C00  }
0xa6: {  	[sflag:s18] =	ssyncset.done $0x0  }
0xa7: {  	[sflag:s18] =	ssyncadd.s32 $0xFFFFD400  }
0xa8: {  	_ =	swait.ge [sflag:s28], $0x58  }
0xa9: {  	[sflag:s28] =	ssyncset.done $0x0  }
0xaa: {  	[sflag:s28] =	ssyncadd.s32 $0xFFFFFFA8  }
0xab: {  	[tilespmem:s29], [sflag:$0x3] =	stream.indirect.gather [hbm4b:s1+s23], $0x80, s21, s23, $0xb8;
	[tilespmem:$0x1FD80] =	vst v63  }
0xac: {  	_ =	swait.ge [sflag:s30], $0x2C00  }
0xad: {  	[sflag:s30] =	ssyncset.done $0x0  }
0xae: {  	s10 =	simm.s32 $0x3780;
	[sflag:s30] =	ssyncadd.s32 $0xFFFFD400  }
0xaf: {  	[spmem:s3] =	stream.indirect.scatter.add.f32 [tilespmem:s24], [sflag:$0x7], $0x80, s10, s23, $0xb8;
	[tilespmem:$0x1FD80] =	vst v63  }
0xb0: {  	_ =	swait.ge [sflag:s18], $0x2C00  }
0xb1: {  	[sflag:s18] =	ssyncset.done $0x0  }
0xb2: {  	[sflag:s18] =	ssyncadd.s32 $0xFFFFD400  }
0xb3: {  	_ =	swait.ge [sflag:s31], $0x2C00  }
0xb4: {  	[sflag:s31] =	ssyncset.done $0x0  }
0xb5: {  	s11 =	simm.s32 $0x3800;
	[sflag:s31] =	ssyncadd.s32 $0xFFFFD400  }
0xb6: {  	[spmem:s3] =	stream.indirect.scatter.add.f32 [tilespmem:s26], [sflag:$0x7], $0x80, s11, s23, $0xb8;
	[tilespmem:$0x1FD80] =	vst v63  }
0xb7: {  	_ =	swait.ge [sflag:s18], $0x2C00  }
0xb8: {  	[sflag:s18] =	ssyncset.done $0x0  }
0xb9: {  	[sflag:s18] =	ssyncadd.s32 $0xFFFFD400  }
0xba: {  	_ =	swait.ge [sflag:s2], $0x2C00  }
0xbb: {  	[sflag:s2] =	ssyncset.done $0x0  }
0xbc: {  	s12 =	simm.s32 $0x3880;
	[sflag:s2] =	ssyncadd.s32 $0xFFFFD400  }
0xbd: {  	[spmem:s3] =	stream.indirect.scatter.add.f32 [tilespmem:s29], [sflag:$0x7], $0x80, s12, s23, $0xb8;
	[tilespmem:$0x1FD80] =	vst v63  }
0xbe: {  	_ =	swait.ge [sflag:s18], $0x2C00  }
0xbf: {  	[sflag:s18] =	ssyncset.done $0x0  }
0xc0: {  	[sflag:s18] =	ssyncadd.s32 $0xFFFFD400  }
0xc1: {  	[bflag:$0x0] =	sbarrier.arrive $0xFFFF  }
0xc2: {  	s13 =	rddreg [dreg:$0x9]  }
0xc3: {  	[hbm:s13], [sflag:s7] =	dma.local [spmem:s17], $0x2780  }
0xc4: {  	_ =	swait.ge [sflag:s18], $0x2780  }
0xc5: {  	s0 =	sadd.s32 $0x1, s0;
	s14 =	rddreg [dreg:$0xa]  }
0xc6: {  	p0 =	sne.s32 s0, s14  }
.Ltmp1:
0xc7: {  	_ = 	snop;
	(pc) =	sbr.rel @p0 .LBB2_1-.Ltmp1, $3  }
0xc8: {  	_ =	sdelay $0x1  }
0xc9: {  	[sflag:s18] =	ssyncset.done $0x0  }
0xca: {  	[sflag:s18] =	ssyncadd.s32 $0xFFFFD880  }
0xcb: {  	_ =	sfence.sel $0x180000  }
0xcc: {  	[bflag:$0x0] =	sbarrier.arrive $0xFFFF  }
0xcd: {  	_ =	strace $0x9000004D  }
0xce: {  	s0 =	stileid.u32;
	[bflag:$0x2] =	sbarrier.arrive $0xFFFF  }
0xcf: {  	p0 =	sne.s32 s0, $0x0;
	s0 =	rddreg [dreg:$0x3]  }
0xd0: {  	s0 =	sadd.s32 @!p0 $0x100000, s0  }
0xd1: {  	[sflag:s0] =	ssyncadd.tile.s32 @!p0 $0x1;
	_ =	shalt  }
.Lfunc_end2:
_tile_overlayer_lowered:
.L_overlay_start_2:
0xd2: {  	(tag) =	ssettag $0x2  }
0xd3: {  	s0 =	rddreg [dreg:$0x0];
	s2 =	stileid.u32  }
0xd4: {  	s1 =	rddreg [dreg:$0x1];
	p0 =	sne.s32 s2, $0x0  }
0xd5: {  	s3 =	rddreg [dreg:$0x2];
	[bflag:$0x3] =	sbarrier.arrive $0xFFFF;
	s2 =	simm.s32 @!p0 $0x1C07  }
0xd6: {  	[timem:s3], [sflag:s2] =	dma.local @!p0 [hbm:s0], s1  }
0xd7: {  	s0 =	simm.s32 @!p0 $0x7  }
0xd8: {  	_ =	swait.ge @!p0 [sflag:s0], s1  }
0xd9: {  	s1 =	ssub.s32 @!p0 $0x0, s1;
	[sflag:s0] =	ssyncset.done @!p0 $0x0  }
0xda: {  	[sflag:s0] =	ssyncadd.s32 @!p0 s1  }
0xdb: {  	[bflag:$0x3] =	sbarrier.arrive $0xFFFF  }
0xdc: {  	_ =	shalt  }

// kernel: kernel.8.cloned.1.call-start
scs
__scs_entry_jumppad:
0x0: {  	(pc) =	sbr.rel $0x88, $3  }
0x1: {  	(tag) =	ssettag $0x0;
	lr =	simm.s32 $0x1  }
0x2: {  	[smem:$0x3F9B] =	sst lr;
	_ =	strace $0xD0000000  }
0x3: {  	_ = 	snop  }
0x4: {  	_ = 	snop  }
0x5: {  	_ = 	snop  }
0x6: {  	_ = 	snop  }
0x7: {  	_ = 	snop  }
__scs_overlays_trampoline_lowered:
0x8: {  	[smem:$0x3FAA] =	sst s0  }
0x9: {  	[smem:$0x3FAB] =	sst s1  }
0xa: {  	[smem:$0x3FAC] =	sst s2  }
0xb: {  	[smem:$0x3FAD] =	sst s3  }
0xc: {  	[smem:$0x3FAE] =	sst s4  }
0xd: {  	[smem:$0x3FAF] =	sst s5  }
0xe: {  	[smem:$0x3FB0] =	sst s6  }
0xf: {  	[smem:$0x3FB1] =	sst s7  }
0x10: {  	[smem:$0x3FB2] =	sst s8  }
0x11: {  	[smem:$0x3FB3] =	sst s9;
	s0 =	simm.s32 @!p0 $0x0  }
0x12: {  	s1 =	sld [smem:$0x3F99];
	s0 =	simm.s32 @p0 $0x1  }
0x13: {  	[smem:$0x3FB4] =	sst s0;
	s0 =	simm.s32 @!p1 $0x0  }
0x14: {  	s2 =	sld [smem:$0x3F98];
	s0 =	simm.s32 @p1 $0x1  }
0x15: {  	[smem:$0x3FB5] =	sst s0;
	s0 =	simm.s32 @!p2 $0x0  }
0x16: {  	s3 =	sld [smem:$0x3FDB];
	s0 =	simm.s32 @p2 $0x1  }
0x17: {  	s4 =	simm.s32 $0x1BF5;
	[smem:$0x3FB7] =	sst s0  }
0x18: {  	s0 =	sld [smem:$0x3F9A];
	_ =	swait.ge [sflag:s4], $0x0  }
0x19: {  	s7 =	sld [smem:$0x3F9B]  }
0x1a: {  	s8 =	sadd.s32 $0xFFFFE003, lr  }
0x1b: {  	s9 =	sadd.s32 $0xFFFFFEF7, lr;
	s5 =	simm.s32 $0xFFFFFFFF;
	p2 =	slt.u32 s8, $0xFFFFF086  }
0x1c: {  	p1 =	slt.u32 s9, $0xF7A;
	s5 =	simm.s32 @!p2 $0x0  }
0x1d: {  	s5 =	simm.s32 @p1 $0x1;
	p0 =	seq.s32 s7, s2  }
0x1e: {  	s7 =	smul.u32 @!p0 $0xF7A, s2;
	p2 =	seq.s32 @!p0 s5, $0x0  }
0x1f: {  	s9 =	smul.u32 $0xF7A, s1;
	s8 =	simm.s32 @!p0 $0x1BF5;
	p2 =	por !p2, p0  }
0x20: {  	[sflag:s8] =	ssyncset.s32 @!p0 $0xFFFFF086;
	s6 =	sadd.s32 @!p0 s3, s7;
	s7 =	simm.s32 @!p0 $0x108  }
0x21: {  	s3 =	sadd.s32 s3, s9;
	s6 =	sadd.s32 @!p0 $0x88, s6;
	s7 =	simm.s32 @p2 $0x1082  }
0x22: {  	[simem:s7], [sflag:s8] =	dma.local @!p0 [hbm:s6], $0xF7A  }
0x23: {  	s9 =	sor.u32 $0xD0000000, s2;
	s6 =	simm.s32 $0x108;
	_ =	swait.ge @!p0 [sflag:s8], $0x0  }
0x24: {  	s3 =	sadd.s32 $0x88, s3;
	s6 =	simm.s32 @!p1 $0x1082;
	[sflag:s4] =	ssyncset.s32 $0xFFFFF086  }
0x25: {  	[simem:s6], [sflag:s4] =	dma.local [hbm:s3], $0xF7A  }
0x26: {  	[smem:$0x3F9B] =	sst s1;
	(tag) =	ssettag s2;
	_ =	strace s9  }
0x27: {  	s1 =	sld [smem:$0x3FAB]  }
0x28: {  	s2 =	sld [smem:$0x3FAC]  }
0x29: {  	s4 =	sld [smem:$0x3FAE]  }
0x2a: {  	p0 =	seq.s32 s5, $0x0;
	s5 =	sld [smem:$0x3FAF]  }
0x2b: {  	s6 =	sld [smem:$0x3FB0]  }
0x2c: {  	s7 =	sld [smem:$0x3FB1]  }
0x2d: {  	s3 =	simm.s32 $0x108;
	s8 =	sld [smem:$0x3FB2]  }
0x2e: {  	s3 =	simm.s32 @!p0 $0x1082;
	s9 =	sld [smem:$0x3FB3]  }
0x2f: {  	lr =	sadd.s32 s0, s3;
	s0 =	sld [smem:$0x3FAA]  }
0x30: {  	s3 =	sld [smem:$0x3FAD]  }
0x31: {  	[smem:$0x3FB6] =	sst s10  }
0x32: {  	s10 =	sld [smem:$0x3FB4];
	_ =	sdelay $0x3  }
0x33: {  	p0 =	seq.s32 s10, $0x1;
	s10 =	sld [smem:$0x3FB6];
	_ =	sdelay $0x3  }
0x34: {  	[smem:$0x3FB6] =	sst s10  }
0x35: {  	s10 =	sld [smem:$0x3FB5];
	_ =	sdelay $0x3  }
0x36: {  	p1 =	seq.s32 s10, $0x1;
	s10 =	sld [smem:$0x3FB6];
	_ =	sdelay $0x3  }
0x37: {  	[smem:$0x3FB6] =	sst s10  }
0x38: {  	s10 =	sld [smem:$0x3FB7]  }
0x39: {  	_ = 	snop;
	(pc) =	sbr.ind lr, $3  }
0x3a: {  	_ = 	snop  }
0x3b: {  	_ = 	snop  }
0x3c: {  	p2 =	seq.s32 s10, $0x1;
	s10 =	sld [smem:$0x3FB6]  }
0x3d: {  	_ =	shalt  }
0x3e: {  	_ =	shalt  }
0x3f: {  	_ =	shalt  }
0x40: {  	_ =	shalt  }
0x41: {  	_ =	shalt  }
0x42: {  	_ =	shalt  }
0x43: {  	_ =	shalt  }
0x44: {  	_ =	shalt  }
0x45: {  	_ =	shalt  }
0x46: {  	_ =	shalt  }
0x47: {  	_ =	shalt  }
0x48: {  	_ =	shalt  }
0x49: {  	_ =	shalt  }
0x4a: {  	_ =	shalt  }
0x4b: {  	_ =	shalt  }
0x4c: {  	_ =	shalt  }
0x4d: {  	_ =	shalt  }
0x4e: {  	_ =	shalt  }
0x4f: {  	_ =	shalt  }
0x50: {  	_ =	shalt  }
0x51: {  	_ =	shalt  }
0x52: {  	_ =	shalt  }
0x53: {  	_ =	shalt  }
0x54: {  	_ =	shalt  }
0x55: {  	_ =	shalt  }
0x56: {  	_ =	shalt  }
0x57: {  	_ =	shalt  }
0x58: {  	_ =	shalt  }
0x59: {  	_ =	shalt  }
0x5a: {  	_ =	shalt  }
0x5b: {  	_ =	shalt  }
0x5c: {  	_ =	shalt  }
0x5d: {  	_ =	shalt  }
0x5e: {  	_ =	shalt  }
0x5f: {  	_ =	shalt  }
0x60: {  	_ =	shalt  }
0x61: {  	_ =	shalt  }
0x62: {  	_ =	shalt  }
0x63: {  	_ =	shalt  }
0x64: {  	_ =	shalt  }
0x65: {  	_ =	shalt  }
0x66: {  	_ =	shalt  }
0x67: {  	_ =	shalt  }
0x68: {  	_ =	shalt  }
0x69: {  	_ =	shalt  }
0x6a: {  	_ =	shalt  }
0x6b: {  	_ =	shalt  }
0x6c: {  	_ =	shalt  }
0x6d: {  	_ =	shalt  }
0x6e: {  	_ =	shalt  }
0x6f: {  	_ =	shalt  }
0x70: {  	_ =	shalt  }
0x71: {  	_ =	shalt  }
0x72: {  	_ =	shalt  }
0x73: {  	_ =	shalt  }
0x74: {  	_ =	shalt  }
0x75: {  	_ =	shalt  }
0x76: {  	_ =	shalt  }
0x77: {  	_ =	shalt  }
0x78: {  	_ =	shalt  }
0x79: {  	_ =	shalt  }
0x7a: {  	_ =	shalt  }
0x7b: {  	_ =	shalt  }
0x7c: {  	_ =	shalt  }
0x7d: {  	_ =	shalt  }
0x7e: {  	_ =	shalt  }
0x7f: {  	_ =	shalt  }
0x80: {  	_ =	shalt  }
0x81: {  	_ =	shalt  }
0x82: {  	_ =	shalt  }
0x83: {  	_ =	shalt  }
0x84: {  	_ =	shalt  }
0x85: {  	_ =	shalt  }
0x86: {  	_ =	shalt  }
0x87: {  	_ =	shalt  }
.Lfunc_end0:
.L_simem_size_0:
called_computation_lowered:
.L_overlay_start_0:
0x88: {  	s2 =	sld [smem:$0x3FD9]  }
0x89: {  	s3 =	sld [smem:$0x3FFE];
	_ =	sdelay $0x1  }
0x8a: {  	s1 =	srdreg.scid  }
0x8b: {  	s0 =	sand.u32 $0x1, s1  }
0x8c: {  	s17 =	sshll.u32 s0, $0xA;
	s2 =	sadd.s32 s3, s2  }
0x8d: {  	s2 =	sadd.s32 s2, s17  }
0x8e: {  	[smem:$0x3FC2] =	sst s2  }
0x8f: {  	_ = 	snop  }
0x90: {  	s2 =	sld [smem:$0x3FD0];
	(tm) =	ssettm $0x1  }
0x91: {  	s18 =	sld [smem:$0x3FFB];
	_ =	sdelay $0x3  }
0x92: {  	_ =	strace s18  }
0x93: {  	s3 =	sld [smem:$0x3FFC];
	_ =	sdelay $0x3  }
0x94: {  	_ =	strace s3  }
0x95: {  	s3 =	sld [smem:$0x3FFD];
	_ =	sdelay $0x3  }
0x96: {  	_ =	strace s3  }
0x97: {  	_ =	strace $0x8FFFFFFF  }
0x98: {  	s19 =	sld [smem:$0x3FDB];
	_ =	sdelay $0x1  }
0x99: {  	s4 =	simm.s32 $_scs_section_size  }
0x9a: {  	s5 =	simm.s32 $_size__tile_overlayer_lowered;
	s6 =	simm.s32 $_tile_overlayer_lowered  }
0x9b: {  	s22 =	simm.s32 $0x1BFF;
	s21 =	sshll.u32 s6, $0x1;
	s3 =	sadd.s32 s4, s19  }
0x9c: {  	s7 =	simm.s32 $0x0;
	s20 =	sshll.u32 s5, $0x1;
	s5 =	sadd.s32 s21, s3  }
0x9d: {  	[timem:s7], [sflag:s22] =	dma.local [hbm:s5], s20  }
0x9e: {  	_ =	swait.ge [sflag:s22], s20  }
0x9f: {  	s4 =	ssub.s32 $0x0, s20;
	[sflag:s22] =	ssyncset.done $0x0  }
0xa0: {  	[sflag:s22] =	ssyncadd.s32 s4;
	_ =	sdelay $0x1  }
0xa1: {  	s23 =	simm.s32 $0x1B8B  }
0xa2: {  	_ =	swait.ge [sflag:s23], $0x1  }
0xa3: {  	[sflag:s23] =	ssyncset.done $0x0  }
0xa4: {  	s25 =	simm.s32 $0x1B8E;
	s24 =	sld [smem:$0x3FFE];
	[sflag:s23] =	ssyncadd.s32 $0xFFFFFFFF  }
0xa5: {  	s26 =	simm.s32 $execute0_lowered;
	[smem:$0x3FD2] =	sst s25  }
0xa6: {  	s5 =	sshll.u32 s26, $0x1;
	_ =	strace $0x80000046;
	[dreg:$0x1] =	wrdreg $0xFFFFFFFF  }
0xa7: {  	s28 =	simm.s32 $_size_execute0_lowered;
	s3 =	sadd.s32 s3, s5;
	[dreg:$0x0] =	wrdreg $0x0  }
0xa8: {  	s5 =	sshll.u32 s28, $0x1;
	[dreg:$0x2] =	wrdreg s3  }
0xa9: {  	[dreg:$0x3] =	wrdreg s5  }
0xaa: {  	[dreg:$0x4] =	wrdreg $0xC0  }
0xab: {  	_ =	task [dreg:s7], $0x5FFFF  }
0xac: {  	[dreg:$0x1] =	wrdreg $0xFFFFFFFF  }
0xad: {  	[dreg:$0x0] =	wrdreg $0x60  }
0xae: {  	[dreg:$0x2] =	wrdreg s2  }
0xaf: {  	[dreg:$0x3] =	wrdreg s24  }
0xb0: {  	[dreg:$0x4] =	wrdreg $0x40800  }
0xb1: {  	[dreg:$0x5] =	wrdreg $0x9  }
0xb2: {  	_ =	task.clear_ibuf [dreg:s7], $0x6FFFF;
	_ =	strace $0x90000046  }
0xb3: {  	s29 =	simm.s32 $0x9;
	_ =	strace $0x80000048  }
0xb4: {  	_ =	swait.ge [sflag:s29], $0x1  }
0xb5: {  	[sflag:s29] =	ssyncadd.s32 $0xFFFFFFFF  }
0xb6: {  	_ =	strace $0x90000048  }
0xb7: {  	_ =	sfence  }
0xb8: {  	s30 =	sld [smem:$0x0];
	_ =	sdelay $0x2  }
0xb9: {  	s31 =	sshll.u32 s1, $0xD;
	s1 =	sshrl.u32 s1, $0x2  }
0xba: {  	s3 =	sand.u32 $0x4000, s31;
	s1 =	sadd.s32 s1, s30  }
0xbb: {  	s0 =	sor.u32 s3, s0;
	s1 =	sshll.u32 s1, $0x11  }
0xbc: {  	s0 =	sor.u32 s1, s0  }
0xbd: {  	s0 =	sadd.s32 $0x8F2B, s0  }
0xbe: {  	[sflag:s0] =	ssyncadd.remote.s32 $0x1  }
0xbf: {  	_ =	sfence.sel $0xFFFF  }
0xc0: {  	[dreg:$0x0] =	wrdreg $0xFFFFFFFF;
	(pc) =	sbr.abs _section_cstart, $3  }
0xc1: {  	[dreg:$0x1] =	wrdreg $0xFFFFFFFF  }
0xc2: {  	_ =	task.clear_ibuf [dreg:s7], $0x2FFFF;
	_ =	strace $0x9FFFFFFF  }
0xc3: {  	(tm) =	ssettm $0x7FFFFFFF  }
tec
execute0_lowered:
.L_overlay_start_1:
0x0: {  	(tag) =	ssettag $0x1  }
0x1: {  	s5 =	rddreg [dreg:$0x0]  }
0x2: {  	s4 =	rddreg [dreg:$0x1]  }
0x3: {  	s2 =	rddreg [dreg:$0x2]  }
0x4: {  	s0 =	rddreg [dreg:$0x3]  }
0x5: {  	s1 =	stileid.u32;
	s6 =	srdreg.scid  }
0x6: {  	s3 =	simm.s32 $0x0;
	s12 =	simm.s32 $0x4000;
	s13 =	simm.s32 $0x80  }
0x7: {  	s14 =	simm.s32 $0x100;
	s15 =	simm.s32 $0x180;
	s16 =	simm.s32 $0x1  }
0x8: {  	s17 =	simm.s32 $0x20;
	s18 =	simm.s32 $0x10;
	s19 =	simm.s32 $0x0  }
0x9: {  	s6 =	sand.u32 $0x1, s6;
	s7 =	smul.u32 $0x500, s1;
	[smem:$0x7FF] =	sst s3  }
0xa: {  	s8 =	smul.u32 $0x280, s1;
	s30 =	sshll.u32 s1, $0x6;
	s31 =	sshll.u32 s1, $0xC  }
0xb: {  	s9 =	sshll.u32 s6, $0x7;
	_ =	strace $0x80000047;
	s28 =	ssub.s32 $0x2, s6  }
0xc: {  	s6 =	sshll.u32 s6, $0xB;
	s7 =	sor.u32 s9, s7;
	s10 =	sshrl.u32 s8, $0x3  }
0xd: {  	s11 =	sshrl.u32 s28, $0x1;
	s29 =	sadd.s32 s8, s2;
	s6 =	sadd.s32 s5, s6  }
0xe: {  	s5 =	sor.u32 $0x1C02, s30;
	s7 =	sshrl.u32 s7, $0x3;
	s10 =	sadd.s32 s10, s4  }
0xf: {  	s9 =	ssub.s32 s28, s11;
	s6 =	sadd.s32 s31, s6;
	s11 =	simm.s32 $0x50  }
0x10: {  	s7 =	sadd.s32 s7, s4;
	s4 =	sadd.s32 $0x3400, s10;
	s8 =	smax.u32 s9, $0x1  }
0x11: {  	v0 =	vimm.f32 $1.000000000e+00;
	s9 =	sshrl.u32 s29, $0x3;
	s10 =	simm.s32 $0x2;
	s7 =	sadd.s32 $0x3A00, s7  }
.LBB2_1:
0x12: {  	[spmem:s9], [sflag:s5] =	dma.local [hbm:s4], $0x50  }
0x13: {  	_ =	swait.ge [sflag:s10], $0x50  }
0x14: {  	[sflag:s10] =	ssyncset.done $0x0  }
0x15: {  	[sflag:s10] =	ssyncadd.s32 $0xFFFFFFB0  }
0x16: {  	[tilespmem:$0x4000] =	vst v0  }
0x17: {  	[tilespmem:$0x4010] =	vst v0  }
0x18: {  	[tilespmem:$0x4020] =	vst v0  }
0x19: {  	[tilespmem:$0x4030] =	vst v0  }
0x1a: {  	[tilespmem:$0x4040] =	vst v0  }
0x1b: {  	[tilespmem:s3], [sflag:$0x2] =	stream.linear.gather [hbm4b:s6+s3], $0x3E80, $0x38;
	[tilespmem:$0x4300] =	vst v63  }
0x1c: {  	_ =	swait.ge [sflag:s10], $0x3E80  }
0x1d: {  	[sflag:s10] =	ssyncset.done $0x0  }
0x1e: {  	[sflag:s10] =	ssyncadd.s32 $0xFFFFC180  }
0x1f: {  	[bflag:$0x0] =	sbarrier.arrive $0xFFFF  }
0x20: {  	[spmem:s2] =	stream.indirect.scatter.add.f32 [tilespmem:s12], [sflag:$0x1], $0x1, s3, s11, $0xb8;
	[tilespmem:$0x4300] =	vst v63  }
0x21: {  	_ = 	snop  }
0x22: {  	[spmem:s2] =	stream.indirect.scatter.add.f32 [tilespmem:s12], [sflag:$0x1], $0x1, s13, s11, $0xb8;
	[tilespmem:$0x4300] =	vst v63  }
0x23: {  	_ = 	snop  }
0x24: {  	[spmem:s2] =	stream.indirect.scatter.add.f32 [tilespmem:s12], [sflag:$0x1], $0x1, s14, s11, $0xb8;
	[tilespmem:$0x4300] =	vst v63  }
0x25: {  	_ = 	snop  }
0x26: {  	[spmem:s2] =	stream.indirect.scatter.add.f32 [tilespmem:s12], [sflag:$0x1], $0x1, s15, s11, $0xb8;
	[tilespmem:$0x4300] =	vst v63  }
0x27: {  	s20 =	simm.s32 $0x200  }
0x28: {  	[spmem:s2] =	stream.indirect.scatter.add.f32 [tilespmem:s12], [sflag:$0x1], $0x1, s20, s11, $0xb8;
	[tilespmem:$0x4300] =	vst v63  }
0x29: {  	_ =	swait.ge [sflag:s16], $0x50  }
0x2a: {  	s20 =	simm.s32 $0xA00;
	[sflag:s16] =	ssyncset.done $0x0  }
.LBB2_2:
0x2b: {  	s21 =	sshra.s32 s20, $0x2;
	[sflag:s16] =	ssyncadd.s32 $0xFFFFFFB0;
	p0 =	sne.s32 s20, $0xF800  }
0x2c: {  	[spmem:s2] =	stream.indirect.scatter.add.f32 [tilespmem:s12], [sflag:$0x1], $0x1, s21, s11, $0xb8;
	[tilespmem:$0x4300] =	vst v63  }
.Ltmp0:
0x2d: {  	_ = 	snop;
	(pc) =	sbr.rel @p0 .LBB2_2-.Ltmp0, $4  }
0x2e: {  	_ = 	snop  }
0x2f: {  	s20 =	sadd.s32 $0x200, s20  }
0x30: {  	_ =	swait.ge [sflag:s16], $0x50  }
0x31: {  	[sflag:s16] =	ssyncset.done $0x0  }
0x32: {  	[sflag:s16] =	ssyncadd.s32 $0xFFFFFFB0  }
0x33: {  	_ =	swait.ge [sflag:s16], $0x50  }
0x34: {  	[sflag:s16] =	ssyncset.done $0x0  }
0x35: {  	[sflag:s16] =	ssyncadd.s32 $0xFFFFFFB0  }
0x36: {  	_ =	swait.ge [sflag:s16], $0x50  }
0x37: {  	[sflag:s16] =	ssyncset.done $0x0  }
0x38: {  	[sflag:s16] =	ssyncadd.s32 $0xFFFFFFB0  }
0x39: {  	_ =	swait.ge [sflag:s16], $0x50  }
0x3a: {  	[sflag:s16] =	ssyncset.done $0x0  }
0x3b: {  	[sflag:s16] =	ssyncadd.s32 $0xFFFFFFB0  }
0x3c: {  	_ =	swait.ge [sflag:s16], $0x50  }
0x3d: {  	s19 =	sadd.s32 $0x1, s19;
	[sflag:s16] =	ssyncset.done $0x0  }
0x3e: {  	p0 =	sne.s32 s19, s8;
	[sflag:s16] =	ssyncadd.s32 $0xFFFFFFB0  }
.Ltmp1:
0x3f: {  	[bflag:$0x0] =	sbarrier.arrive $0xFFFF;
	(pc) =	sbr.rel @p0 .LBB2_1-.Ltmp1, $4  }
0x40: {  	[hbm:s7@s17], [sflag:s5] =	dma.strided [spmem:s9@s18], $0x50, s16, $0x10   }
0x41: {  	_ =	swait.ge [sflag:s10], $0x50  }
0x42: {  	[sflag:s10] =	ssyncset.done $0x0  }
0x43: {  	[sflag:s10] =	ssyncadd.s32 $0xFFFFFFB0  }
0x44: {  	_ =	sfence.sel $0x180000  }
0x45: {  	[bflag:$0x0] =	sbarrier.arrive $0xFFFF  }
0x46: {  	p0 =	sne.s32 s1, $0x0;
	_ =	strace $0x90000047  }
0x47: {  	s0 =	sadd.s32 @!p0 $0x100000, s0;
	[bflag:$0x2] =	sbarrier.arrive $0xFFFF  }
0x48: {  	[sflag:s0] =	ssyncadd.tile.s32 @!p0 $0x1;
	_ =	shalt  }
.Lfunc_end2:
_tile_overlayer_lowered:
.L_overlay_start_2:
0x49: {  	(tag) =	ssettag $0x2  }
0x4a: {  	s0 =	rddreg [dreg:$0x0];
	s2 =	stileid.u32  }
0x4b: {  	s1 =	rddreg [dreg:$0x1];
	p0 =	sne.s32 s2, $0x0  }
0x4c: {  	s3 =	rddreg [dreg:$0x2];
	[bflag:$0x3] =	sbarrier.arrive $0xFFFF;
	s2 =	simm.s32 @!p0 $0x1C02  }
0x4d: {  	[timem:s3], [sflag:s2] =	dma.local @!p0 [hbm:s0], s1  }
0x4e: {  	s0 =	simm.s32 @!p0 $0x2  }
0x4f: {  	_ =	swait.ge @!p0 [sflag:s0], s1  }
0x50: {  	s1 =	ssub.s32 @!p0 $0x0, s1;
	[sflag:s0] =	ssyncset.done @!p0 $0x0  }
0x51: {  	[sflag:s0] =	ssyncadd.s32 @!p0 s1  }
0x52: {  	[bflag:$0x3] =	sbarrier.arrive $0xFFFF  }
0x53: {  	_ =	shalt  }

</sc_bundles>
